<compile_context>
chip_gen: v7x
topology: tpu7x:2x2x1
jax: 0.10.2.dev20260603
libtpu: 0.0.44.dev20260713+nightly
codegen_flags: <defaults>
</compile_context>

<pallas_src>
import functools

import jax
import jax.numpy as jnp
from jax import lax
from jax.experimental import pallas as pl
from jax.experimental.pallas import tpu as pltpu
from jax.experimental.pallas import tpu_sc as plsc

D = 128
NW = 32
GATHER = 128
IDX_ROWS = 1
CHUNK = IDX_ROWS * GATHER
NBUF = 3
TABLE_ROWS = 8192


def _build(total_rows: int):
    per_w = total_rows // NW
    n_chunks = per_w // CHUNK
    n_outer = n_chunks // NBUF
    tail = [(c, c % NBUF) for c in range(n_outer * NBUF, n_chunks)]
    mesh = plsc.VectorSubcoreMesh(core_axis_name="c", subcore_axis_name="s")

    @functools.partial(
        pl.kernel,
        mesh=mesh,
        out_type=jax.ShapeDtypeStruct((total_rows, D), jnp.float32),
        scratch_types=[
            pltpu.VMEM((NBUF, IDX_ROWS, GATHER), jnp.int32),
            pltpu.VMEM((NBUF, CHUNK, D), jnp.float32),
            pltpu.VMEM_SHARED((TABLE_ROWS, D), jnp.float32),
            pltpu.SemaphoreType.DMA,
            pltpu.SemaphoreType.DMA,
        ] + [pltpu.SemaphoreType.DMA] * NBUF,
    )
    def gather_kernel(table_hbm, idx_hbm, out_hbm, idx_v, rows_v, table_sh,
                      isem, gsem, *osems):
        wid = lax.axis_index("s") * 2 + lax.axis_index("c")
        base_irow = wid * (per_w // GATHER)

        def idx_rows_of(c):
            return pl.ds(base_irow + c * IDX_ROWS, IDX_ROWS)

        def out_rows_of(c):
            return pl.ds((base_irow + c * IDX_ROWS) * GATHER, CHUNK)

        def _fire_from(table_ref, b):
            for j in range(IDX_ROWS):
                pltpu.async_copy(
                    table_ref.at[idx_v.at[b, j]],
                    rows_v.at[b, pl.ds(j * GATHER, GATHER)],
                    gsem,
                )

        def fire_gathers(b, c):
            _fire_from(table_sh, b)

        def wait_gathers(b):
            for j in range(IDX_ROWS):
                pltpu.make_async_copy(
                    table_sh.at[idx_v.at[b, j]],
                    rows_v.at[b, pl.ds(j * GATHER, GATHER)],
                    gsem,
                ).wait()

        def start_out(c, b):
            pltpu.async_copy(rows_v.at[b], out_hbm.at[out_rows_of(c)], osems[b])

        def wait_out(c, b):
            pltpu.make_async_copy(rows_v.at[b], out_hbm.at[out_rows_of(c)], osems[b]).wait()

        def start_idx(c, b):
            pltpu.async_copy(idx_hbm.at[idx_rows_of(c)], idx_v.at[b], isem)

        def wait_idx(c, b):
            pltpu.make_async_copy(idx_hbm.at[idx_rows_of(c)], idx_v.at[b], isem).wait()

        @pl.when(lax.axis_index("s") == 0)
        def _():
            pltpu.sync_copy(table_hbm, table_sh)

        plsc.subcore_barrier()

        pltpu.sync_copy(idx_hbm.at[idx_rows_of(0)], idx_v.at[0])
        fire_gathers(0, 0)
        pltpu.sync_copy(idx_hbm.at[idx_rows_of(1)], idx_v.at[1])
        fire_gathers(1, 1)
        start_idx(2, 2 % NBUF)

        def step(c, b, traced):
            cond = pl.when if traced else (lambda p: (lambda f: f() if p else None))
            b2 = (b + 2) % NBUF
            wait_gathers(b)
            start_out(c, b)

            @cond(c + 2 < n_chunks)
            def _():
                wait_idx(c + 2, b2)

                @cond(c >= 1)
                def _():
                    wait_out(c - 1, b2)

                fire_gathers(b2, c + 2)

            @cond(c + 3 < n_chunks)
            def _():
                start_idx(c + 3, b)

        def outer(h, carry):
            for k in range(NBUF):
                step(NBUF * h + k, k, traced=True)
            return carry

        lax.fori_loop(0, n_outer, outer, 0)
        for c, b in tail:
            step(c, b, traced=False)
        for c in range(n_chunks - NBUF, n_chunks):
            wait_out(c, c % NBUF)

    return gather_kernel


def kernel(x, embeddings):
    b, t = x.shape
    total = b * t
    idx2d = x.astype(jnp.int32).reshape(total // GATHER, GATHER)
    out = _build(total)(embeddings, idx2d)
    return out.reshape(b, t, embeddings.shape[1])

# --- scband reference (transcript-rebuilt; emitter-appended) ---
"""Pipeline reference for scband-positional-embedding-163208757322 (READ-ONLY COPY).

The authoritative reference and input builder live on the scoring server;
editing this copy changes nothing except your own understanding.
"""

import jax, jax.numpy as jnp
import numpy as np

MAX_POSITION_ID = 8191
EMBED_DIM = 128
MAX_FREQ = 10000

def cos_sin_seq_embeddings(length, embed_dim, max_freq=10000):
    assert embed_dim % 2 == 0
    positions = np.arange(length)
    embed_dim_per_op = embed_dim // 2
    freq_coeff = np.arange(embed_dim_per_op, dtype=np.float64) / embed_dim_per_op
    freq_coeff = 1 / max_freq ** freq_coeff
    freq_values = np.expand_dims(positions, axis=-1) * freq_coeff
    embeddings = np.concatenate([np.sin(freq_values), np.cos(freq_values)], axis=-1)
    return embeddings

def setup_inputs(seed: int = 0) -> dict:
    key = jax.random.key(seed)
    k_idx, = jax.random.split(key, 1)
    x = jax.random.randint(k_idx, (4096, 200), 0, MAX_POSITION_ID + 1, dtype=jnp.int64 if jax.config.jax_enable_x64 else jnp.int32)
    embeddings = jnp.asarray(cos_sin_seq_embeddings(MAX_POSITION_ID + 1, EMBED_DIM, MAX_FREQ).astype('float32'))
    return {"x": x, "embeddings": embeddings}

def reference(x, embeddings):
    # PositionalEmbedding.forward: emb = self.embeddings[x]
    emb = jnp.take(embeddings, x, axis=0)
    return emb

if __name__ == "__main__":
    import jax
    _d = setup_inputs()
    print(jax.jit(kernel)(*tuple(_d.values())))

</pallas_src>

<mosaic_0001>
#map = affine_map<(d0, d1) -> (0, 0)>
module attributes {stable_mosaic.version = 14 : i64} {
  func.func @gather_kernel(%arg0: i32, %arg1: i32, %arg2: memref<8192x128xf32, #tpu.memory_space<hbm>>, %arg3: memref<6400x128xi32, #tpu.memory_space<hbm>>, %arg4: memref<819200x128xf32, #tpu.memory_space<hbm>>, %arg5: memref<3x1x128xi32, #tpu.memory_space<vmem>>, %arg6: memref<3x128x128xf32, #tpu.memory_space<vmem>>, %arg7: memref<8192x128xf32, #tpu.memory_space<vmem_shared>>, %arg8: memref<!tpu.dma_semaphore, #tpu.memory_space<semaphore_mem>>, %arg9: memref<!tpu.dma_semaphore, #tpu.memory_space<semaphore_mem>>, %arg10: memref<!tpu.dma_semaphore, #tpu.memory_space<semaphore_mem>>, %arg11: memref<!tpu.dma_semaphore, #tpu.memory_space<semaphore_mem>>, %arg12: memref<!tpu.dma_semaphore, #tpu.memory_space<semaphore_mem>>) attributes {dimension_semantics = [#tpu.dimension_semantics<core_parallel>, #tpu.dimension_semantics<subcore_parallel>], iteration_bounds = array<i64: 2, 16>, scalar_prefetch = 0 : i64, scratch_operands = 8 : i64, tpu.core_type = #tpu.core_type<sc_vector_subcore>, window_params = [{transform_indices = #map}, {transform_indices = #map}, {transform_indices = #map}]} {
    %mul3A = arith.constant 2 : i32
    %mul3A_0 = arith.muli %arg1, %mul3A : i32
    %add3A = arith.addi %mul3A_0, %arg0 : i32
    %mul3A_1 = arith.constant 200 : i32
    %mul3A_2 = arith.muli %add3A, %mul3A_1 : i32
    %eq3A = arith.constant 0 : i32
    %eq3A_3 = arith.cmpi eq, %arg1, %eq3A : i32
    %convert_element_type3A = arith.extui %eq3A_3 : i1 to i32
    %cond3A = arith.constant 0 : i32
    %cond3A_4 = arith.cmpi ne, %convert_element_type3A, %cond3A : i32
    scf.if %cond3A_4 {
      "tpu.region"() ({
        %run_scoped3A_165 = tpu.sem_alloc : memref<!tpu.dma_semaphore, #tpu.memory_space<semaphore_mem>>
        tpu.enqueue_dma source(%arg2 : memref<8192x128xf32, #tpu.memory_space<hbm>>) target(%arg7 : memref<8192x128xf32, #tpu.memory_space<vmem_shared>>) target_semaphore(%run_scoped3A_165 : memref<!tpu.dma_semaphore, #tpu.memory_space<semaphore_mem>>)
        tpu.wait_dma2 semaphore(%run_scoped3A_165 : memref<!tpu.dma_semaphore, #tpu.memory_space<semaphore_mem>>) src(%arg2 : memref<8192x128xf32, #tpu.memory_space<hbm>>) dst(%arg7 : memref<8192x128xf32, #tpu.memory_space<vmem_shared>>)
        tpu.yield
      }) : () -> ()
    } else {
    }
    %barrier3A = arith.constant 0 : index
    tpu.barrier barrier_id(%barrier3A)
    %add3A_5 = arith.constant 0 : i32
    %add3A_6 = arith.addi %mul3A_2, %add3A_5 : i32
    %run_scoped3A = arith.constant 0 : i32
    "tpu.region"() ({
      %run_scoped3A_165 = tpu.sem_alloc : memref<!tpu.dma_semaphore, #tpu.memory_space<semaphore_mem>>
      %dma_start3A_166 = arith.constant 0 : i32
      %dma_start3A_167 = arith.constant 0 : i32
      %dma_start3A_168 = tpu.memref_slice %arg5[%run_scoped3A, %dma_start3A_166, %dma_start3A_167] : memref<3x1x128xi32, #tpu.memory_space<vmem>> -> memref<1x1x128xi32, #tpu.memory_space<vmem>>
      %dma_start3A_169 = tpu.memref_squeeze %dma_start3A_168 : memref<1x1x128xi32, #tpu.memory_space<vmem>> -> memref<1x128xi32, #tpu.memory_space<vmem>>
      %dma_start3A_170 = arith.constant 0 : i32
      %dma_start3A_171 = tpu.memref_slice %arg3[%add3A_6, %dma_start3A_170] : memref<6400x128xi32, #tpu.memory_space<hbm>> -> memref<1x128xi32, #tpu.memory_space<hbm>>
      %dma_start3A_172 = arith.constant 0 : i32
      %dma_start3A_173 = arith.constant 0 : i32
      %dma_start3A_174 = tpu.memref_slice %arg5[%run_scoped3A, %dma_start3A_172, %dma_start3A_173] : memref<3x1x128xi32, #tpu.memory_space<vmem>> -> memref<1x1x128xi32, #tpu.memory_space<vmem>>
      %dma_start3A_175 = tpu.memref_squeeze %dma_start3A_174 : memref<1x1x128xi32, #tpu.memory_space<vmem>> -> memref<1x128xi32, #tpu.memory_space<vmem>>
      %dma_start3A_176 = arith.constant 0 : i32
      %dma_start3A_177 = tpu.memref_slice %arg3[%add3A_6, %dma_start3A_176] : memref<6400x128xi32, #tpu.memory_space<hbm>> -> memref<1x128xi32, #tpu.memory_space<hbm>>
      tpu.enqueue_dma source(%dma_start3A_177 : memref<1x128xi32, #tpu.memory_space<hbm>>) target(%dma_start3A_175 : memref<1x128xi32, #tpu.memory_space<vmem>>) target_semaphore(%run_scoped3A_165 : memref<!tpu.dma_semaphore, #tpu.memory_space<semaphore_mem>>)
      %dma_wait3A_178 = arith.constant 0 : i32
      %dma_wait3A_179 = arith.constant 0 : i32
      %dma_wait3A_180 = tpu.memref_slice %arg5[%run_scoped3A, %dma_wait3A_178, %dma_wait3A_179] : memref<3x1x128xi32, #tpu.memory_space<vmem>> -> memref<1x1x128xi32, #tpu.memory_space<vmem>>
      %dma_wait3A_181 = tpu.memref_squeeze %dma_wait3A_180 : memref<1x1x128xi32, #tpu.memory_space<vmem>> -> memref<1x128xi32, #tpu.memory_space<vmem>>
      %dma_wait3A_182 = arith.constant 0 : i32
      %dma_wait3A_183 = tpu.memref_slice %arg3[%add3A_6, %dma_wait3A_182] : memref<6400x128xi32, #tpu.memory_space<hbm>> -> memref<1x128xi32, #tpu.memory_space<hbm>>
      %dma_wait3A_184 = arith.constant 0 : i32
      %dma_wait3A_185 = arith.constant 0 : i32
      %dma_wait3A_186 = tpu.memref_slice %arg5[%run_scoped3A, %dma_wait3A_184, %dma_wait3A_185] : memref<3x1x128xi32, #tpu.memory_space<vmem>> -> memref<1x1x128xi32, #tpu.memory_space<vmem>>
      %dma_wait3A_187 = tpu.memref_squeeze %dma_wait3A_186 : memref<1x1x128xi32, #tpu.memory_space<vmem>> -> memref<1x128xi32, #tpu.memory_space<vmem>>
      %dma_wait3A_188 = arith.constant 0 : i32
      %dma_wait3A_189 = tpu.memref_slice %arg3[%add3A_6, %dma_wait3A_188] : memref<6400x128xi32, #tpu.memory_space<hbm>> -> memref<1x128xi32, #tpu.memory_space<hbm>>
      tpu.wait_dma2 semaphore(%run_scoped3A_165 : memref<!tpu.dma_semaphore, #tpu.memory_space<semaphore_mem>>) src(%dma_wait3A_189 : memref<1x128xi32, #tpu.memory_space<hbm>>) dst(%dma_wait3A_187 : memref<1x128xi32, #tpu.memory_space<vmem>>)
      tpu.yield
    }) : () -> ()
    %dma_start3A = arith.constant 0 : i32
    %dma_start3A_7 = arith.constant 0 : i32
    %dma_start3A_8 = arith.constant 0 : i32
    %dma_start3A_9 = arith.constant 0 : i32
    %dma_start3A_10 = arith.constant 0 : i32
    %dma_start3A_11 = tpu.memref_slice %arg6[%dma_start3A_8, %dma_start3A_9, %dma_start3A_10] : memref<3x128x128xf32, #tpu.memory_space<vmem>> -> memref<1x128x128xf32, #tpu.memory_space<vmem>>
    %dma_start3A_12 = tpu.memref_squeeze %dma_start3A_11 : memref<1x128x128xf32, #tpu.memory_space<vmem>> -> memref<128x128xf32, #tpu.memory_space<vmem>>
    %dma_start3A_13 = arith.constant 0 : i32
    %dma_start3A_14 = tpu.memref_slice %arg5[%dma_start3A, %dma_start3A_7, %dma_start3A_13] : memref<3x1x128xi32, #tpu.memory_space<vmem>> -> memref<1x1x128xi32, #tpu.memory_space<vmem>>
    %dma_start3A_15 = tpu.memref_squeeze %dma_start3A_14 : memref<1x1x128xi32, #tpu.memory_space<vmem>> -> memref<128xi32, #tpu.memory_space<vmem>>
    %dma_start3A_16 = arith.constant 0 : i32
    %dma_start3A_17 = arith.constant 0 : i32
    %dma_start3A_18 = tpu.memref_slice %arg7[%dma_start3A_16, %dma_start3A_17] : memref<8192x128xf32, #tpu.memory_space<vmem_shared>> -> memref<8192x128xf32, #tpu.memory_space<vmem_shared>>
    tpu.enqueue_indirect_dma source(%dma_start3A_18 : memref<8192x128xf32, #tpu.memory_space<vmem_shared>>) target(%dma_start3A_12 : memref<128x128xf32, #tpu.memory_space<vmem>>) offsets(%dma_start3A_15 : memref<128xi32, #tpu.memory_space<vmem>>) semaphore(%arg9 : memref<!tpu.dma_semaphore, #tpu.memory_space<semaphore_mem>>)
    %add3A_19 = arith.constant 1 : i32
    %add3A_20 = arith.addi %mul3A_2, %add3A_19 : i32
    %run_scoped3A_21 = arith.constant 1 : i32
    "tpu.region"() ({
      %run_scoped3A_165 = tpu.sem_alloc : memref<!tpu.dma_semaphore, #tpu.memory_space<semaphore_mem>>
      %dma_start3A_166 = arith.constant 0 : i32
      %dma_start3A_167 = arith.constant 0 : i32
      %dma_start3A_168 = tpu.memref_slice %arg5[%run_scoped3A_21, %dma_start3A_166, %dma_start3A_167] : memref<3x1x128xi32, #tpu.memory_space<vmem>> -> memref<1x1x128xi32, #tpu.memory_space<vmem>>
      %dma_start3A_169 = tpu.memref_squeeze %dma_start3A_168 : memref<1x1x128xi32, #tpu.memory_space<vmem>> -> memref<1x128xi32, #tpu.memory_space<vmem>>
      %dma_start3A_170 = arith.constant 0 : i32
      %dma_start3A_171 = tpu.memref_slice %arg3[%add3A_20, %dma_start3A_170] : memref<6400x128xi32, #tpu.memory_space<hbm>> -> memref<1x128xi32, #tpu.memory_space<hbm>>
      %dma_start3A_172 = arith.constant 0 : i32
      %dma_start3A_173 = arith.constant 0 : i32
      %dma_start3A_174 = tpu.memref_slice %arg5[%run_scoped3A_21, %dma_start3A_172, %dma_start3A_173] : memref<3x1x128xi32, #tpu.memory_space<vmem>> -> memref<1x1x128xi32, #tpu.memory_space<vmem>>
      %dma_start3A_175 = tpu.memref_squeeze %dma_start3A_174 : memref<1x1x128xi32, #tpu.memory_space<vmem>> -> memref<1x128xi32, #tpu.memory_space<vmem>>
      %dma_start3A_176 = arith.constant 0 : i32
      %dma_start3A_177 = tpu.memref_slice %arg3[%add3A_20, %dma_start3A_176] : memref<6400x128xi32, #tpu.memory_space<hbm>> -> memref<1x128xi32, #tpu.memory_space<hbm>>
      tpu.enqueue_dma source(%dma_start3A_177 : memref<1x128xi32, #tpu.memory_space<hbm>>) target(%dma_start3A_175 : memref<1x128xi32, #tpu.memory_space<vmem>>) target_semaphore(%run_scoped3A_165 : memref<!tpu.dma_semaphore, #tpu.memory_space<semaphore_mem>>)
      %dma_wait3A_178 = arith.constant 0 : i32
      %dma_wait3A_179 = arith.constant 0 : i32
      %dma_wait3A_180 = tpu.memref_slice %arg5[%run_scoped3A_21, %dma_wait3A_178, %dma_wait3A_179] : memref<3x1x128xi32, #tpu.memory_space<vmem>> -> memref<1x1x128xi32, #tpu.memory_space<vmem>>
      %dma_wait3A_181 = tpu.memref_squeeze %dma_wait3A_180 : memref<1x1x128xi32, #tpu.memory_space<vmem>> -> memref<1x128xi32, #tpu.memory_space<vmem>>
      %dma_wait3A_182 = arith.constant 0 : i32
      %dma_wait3A_183 = tpu.memref_slice %arg3[%add3A_20, %dma_wait3A_182] : memref<6400x128xi32, #tpu.memory_space<hbm>> -> memref<1x128xi32, #tpu.memory_space<hbm>>
      %dma_wait3A_184 = arith.constant 0 : i32
      %dma_wait3A_185 = arith.constant 0 : i32
      %dma_wait3A_186 = tpu.memref_slice %arg5[%run_scoped3A_21, %dma_wait3A_184, %dma_wait3A_185] : memref<3x1x128xi32, #tpu.memory_space<vmem>> -> memref<1x1x128xi32, #tpu.memory_space<vmem>>
      %dma_wait3A_187 = tpu.memref_squeeze %dma_wait3A_186 : memref<1x1x128xi32, #tpu.memory_space<vmem>> -> memref<1x128xi32, #tpu.memory_space<vmem>>
      %dma_wait3A_188 = arith.constant 0 : i32
      %dma_wait3A_189 = tpu.memref_slice %arg3[%add3A_20, %dma_wait3A_188] : memref<6400x128xi32, #tpu.memory_space<hbm>> -> memref<1x128xi32, #tpu.memory_space<hbm>>
      tpu.wait_dma2 semaphore(%run_scoped3A_165 : memref<!tpu.dma_semaphore, #tpu.memory_space<semaphore_mem>>) src(%dma_wait3A_189 : memref<1x128xi32, #tpu.memory_space<hbm>>) dst(%dma_wait3A_187 : memref<1x128xi32, #tpu.memory_space<vmem>>)
      tpu.yield
    }) : () -> ()
    %dma_start3A_22 = arith.constant 1 : i32
    %dma_start3A_23 = arith.constant 0 : i32
    %dma_start3A_24 = arith.constant 1 : i32
    %dma_start3A_25 = arith.constant 0 : i32
    %dma_start3A_26 = arith.constant 0 : i32
    %dma_start3A_27 = tpu.memref_slice %arg6[%dma_start3A_24, %dma_start3A_25, %dma_start3A_26] : memref<3x128x128xf32, #tpu.memory_space<vmem>> -> memref<1x128x128xf32, #tpu.memory_space<vmem>>
    %dma_start3A_28 = tpu.memref_squeeze %dma_start3A_27 : memref<1x128x128xf32, #tpu.memory_space<vmem>> -> memref<128x128xf32, #tpu.memory_space<vmem>>
    %dma_start3A_29 = arith.constant 0 : i32
    %dma_start3A_30 = tpu.memref_slice %arg5[%dma_start3A_22, %dma_start3A_23, %dma_start3A_29] : memref<3x1x128xi32, #tpu.memory_space<vmem>> -> memref<1x1x128xi32, #tpu.memory_space<vmem>>
    %dma_start3A_31 = tpu.memref_squeeze %dma_start3A_30 : memref<1x1x128xi32, #tpu.memory_space<vmem>> -> memref<128xi32, #tpu.memory_space<vmem>>
    %dma_start3A_32 = arith.constant 0 : i32
    %dma_start3A_33 = arith.constant 0 : i32
    %dma_start3A_34 = tpu.memref_slice %arg7[%dma_start3A_32, %dma_start3A_33] : memref<8192x128xf32, #tpu.memory_space<vmem_shared>> -> memref<8192x128xf32, #tpu.memory_space<vmem_shared>>
    tpu.enqueue_indirect_dma source(%dma_start3A_34 : memref<8192x128xf32, #tpu.memory_space<vmem_shared>>) target(%dma_start3A_28 : memref<128x128xf32, #tpu.memory_space<vmem>>) offsets(%dma_start3A_31 : memref<128xi32, #tpu.memory_space<vmem>>) semaphore(%arg9 : memref<!tpu.dma_semaphore, #tpu.memory_space<semaphore_mem>>)
    %add3A_35 = arith.constant 2 : i32
    %add3A_36 = arith.addi %mul3A_2, %add3A_35 : i32
    %dma_start3A_37 = arith.constant 2 : i32
    %dma_start3A_38 = arith.constant 0 : i32
    %dma_start3A_39 = arith.constant 0 : i32
    %dma_start3A_40 = tpu.memref_slice %arg5[%dma_start3A_37, %dma_start3A_38, %dma_start3A_39] : memref<3x1x128xi32, #tpu.memory_space<vmem>> -> memref<1x1x128xi32, #tpu.memory_space<vmem>>
    %dma_start3A_41 = tpu.memref_squeeze %dma_start3A_40 : memref<1x1x128xi32, #tpu.memory_space<vmem>> -> memref<1x128xi32, #tpu.memory_space<vmem>>
    %dma_start3A_42 = arith.constant 0 : i32
    %dma_start3A_43 = tpu.memref_slice %arg3[%add3A_36, %dma_start3A_42] : memref<6400x128xi32, #tpu.memory_space<hbm>> -> memref<1x128xi32, #tpu.memory_space<hbm>>
    %dma_start3A_44 = arith.constant 0 : i32
    %dma_start3A_45 = arith.constant 0 : i32
    %dma_start3A_46 = tpu.memref_slice %arg5[%dma_start3A_37, %dma_start3A_44, %dma_start3A_45] : memref<3x1x128xi32, #tpu.memory_space<vmem>> -> memref<1x1x128xi32, #tpu.memory_space<vmem>>
    %dma_start3A_47 = tpu.memref_squeeze %dma_start3A_46 : memref<1x1x128xi32, #tpu.memory_space<vmem>> -> memref<1x128xi32, #tpu.memory_space<vmem>>
    %dma_start3A_48 = arith.constant 0 : i32
    %dma_start3A_49 = tpu.memref_slice %arg3[%add3A_36, %dma_start3A_48] : memref<6400x128xi32, #tpu.memory_space<hbm>> -> memref<1x128xi32, #tpu.memory_space<hbm>>
    tpu.enqueue_dma source(%dma_start3A_49 : memref<1x128xi32, #tpu.memory_space<hbm>>) target(%dma_start3A_47 : memref<1x128xi32, #tpu.memory_space<vmem>>) target_semaphore(%arg8 : memref<!tpu.dma_semaphore, #tpu.memory_space<semaphore_mem>>)
    %scan3A = arith.constant 0 : i32
    %scan3A_50 = arith.constant 0 : i32
    %scan3A_51 = arith.constant 66 : i32
    %scan3A_52 = arith.addi %scan3A_50, %scan3A_51 : i32
    %scan3A_53 = arith.constant 1 : i32
    scf.for %scan3A_165 = %scan3A_50 to %scan3A_52 step %scan3A_53  : i32 {
      %mul3A_166 = arith.constant 3 : i32
      %mul3A_167 = arith.muli %mul3A_166, %scan3A_165 : i32
      %add3A_168 = arith.constant 0 : i32
      %add3A_169 = arith.addi %mul3A_167, %add3A_168 : i32
      %dma_wait3A_170 = arith.constant 0 : i32
      %dma_wait3A_171 = arith.constant 0 : i32
      %dma_wait3A_172 = arith.constant 0 : i32
      %dma_wait3A_173 = arith.constant 0 : i32
      %dma_wait3A_174 = arith.constant 0 : i32
      %dma_wait3A_175 = tpu.memref_slice %arg6[%dma_wait3A_172, %dma_wait3A_173, %dma_wait3A_174] : memref<3x128x128xf32, #tpu.memory_space<vmem>> -> memref<1x128x128xf32, #tpu.memory_space<vmem>>
      %dma_wait3A_176 = tpu.memref_squeeze %dma_wait3A_175 : memref<1x128x128xf32, #tpu.memory_space<vmem>> -> memref<128x128xf32, #tpu.memory_space<vmem>>
      %dma_wait3A_177 = arith.constant 0 : i32
      %dma_wait3A_178 = tpu.memref_slice %arg5[%dma_wait3A_170, %dma_wait3A_171, %dma_wait3A_177] : memref<3x1x128xi32, #tpu.memory_space<vmem>> -> memref<1x1x128xi32, #tpu.memory_space<vmem>>
      %dma_wait3A_179 = tpu.memref_squeeze %dma_wait3A_178 : memref<1x1x128xi32, #tpu.memory_space<vmem>> -> memref<128xi32, #tpu.memory_space<vmem>>
      %dma_wait3A_180 = arith.constant 0 : i32
      %dma_wait3A_181 = arith.constant 0 : i32
      %dma_wait3A_182 = tpu.memref_slice %arg7[%dma_wait3A_180, %dma_wait3A_181] : memref<8192x128xf32, #tpu.memory_space<vmem_shared>> -> memref<8192x128xf32, #tpu.memory_space<vmem_shared>>
      tpu.wait_indirect_dma semaphore(%arg9 : memref<!tpu.dma_semaphore, #tpu.memory_space<semaphore_mem>>) src(%dma_wait3A_182 : memref<8192x128xf32, #tpu.memory_space<vmem_shared>>) dst(%dma_wait3A_176 : memref<128x128xf32, #tpu.memory_space<vmem>>)
      %mul3A_183 = arith.constant 1 : i32
      %mul3A_184 = arith.muli %add3A_169, %mul3A_183 : i32
      %add3A_185 = arith.addi %mul3A_2, %mul3A_184 : i32
      %mul3A_186 = arith.constant 128 : i32
      %mul3A_187 = arith.muli %add3A_185, %mul3A_186 : i32
      %dma_start3A_188 = arith.constant 0 : i32
      %dma_start3A_189 = arith.constant 0 : i32
      %dma_start3A_190 = arith.constant 0 : i32
      %dma_start3A_191 = tpu.memref_slice %arg6[%dma_start3A_188, %dma_start3A_189, %dma_start3A_190] : memref<3x128x128xf32, #tpu.memory_space<vmem>> -> memref<1x128x128xf32, #tpu.memory_space<vmem>>
      %dma_start3A_192 = tpu.memref_squeeze %dma_start3A_191 : memref<1x128x128xf32, #tpu.memory_space<vmem>> -> memref<128x128xf32, #tpu.memory_space<vmem>>
      %dma_start3A_193 = arith.constant 0 : i32
      %dma_start3A_194 = tpu.memref_slice %arg4[%mul3A_187, %dma_start3A_193] : memref<819200x128xf32, #tpu.memory_space<hbm>> -> memref<128x128xf32, #tpu.memory_space<hbm>>
      %dma_start3A_195 = arith.constant 0 : i32
      %dma_start3A_196 = tpu.memref_slice %arg4[%mul3A_187, %dma_start3A_195] : memref<819200x128xf32, #tpu.memory_space<hbm>> -> memref<128x128xf32, #tpu.memory_space<hbm>>
      %dma_start3A_197 = arith.constant 0 : i32
      %dma_start3A_198 = arith.constant 0 : i32
      %dma_start3A_199 = tpu.memref_slice %arg6[%dma_start3A_188, %dma_start3A_197, %dma_start3A_198] : memref<3x128x128xf32, #tpu.memory_space<vmem>> -> memref<1x128x128xf32, #tpu.memory_space<vmem>>
      %dma_start3A_200 = tpu.memref_squeeze %dma_start3A_199 : memref<1x128x128xf32, #tpu.memory_space<vmem>> -> memref<128x128xf32, #tpu.memory_space<vmem>>
      tpu.enqueue_dma source(%dma_start3A_200 : memref<128x128xf32, #tpu.memory_space<vmem>>) target(%dma_start3A_196 : memref<128x128xf32, #tpu.memory_space<hbm>>) target_semaphore(%arg10 : memref<!tpu.dma_semaphore, #tpu.memory_space<semaphore_mem>>)
      %add3A_201 = arith.constant 2 : i32
      %add3A_202 = arith.addi %add3A_169, %add3A_201 : i32
      %lt3A = arith.constant 200 : i32
      %lt3A_203 = arith.cmpi slt, %add3A_202, %lt3A : i32
      %convert_element_type3A_204 = arith.extui %lt3A_203 : i1 to i32
      %cond3A_205 = arith.constant 0 : i32
      %cond3A_206 = arith.cmpi ne, %convert_element_type3A_204, %cond3A_205 : i32
      scf.if %cond3A_206 {
        %add3A_312 = arith.constant 2 : i32
        %add3A_313 = arith.addi %add3A_169, %add3A_312 : i32
        %mul3A_314 = arith.constant 1 : i32
        %mul3A_315 = arith.muli %add3A_313, %mul3A_314 : i32
        %add3A_316 = arith.addi %mul3A_2, %mul3A_315 : i32
        %dma_wait3A_317 = arith.constant 2 : i32
        %dma_wait3A_318 = arith.constant 0 : i32
        %dma_wait3A_319 = arith.constant 0 : i32
        %dma_wait3A_320 = tpu.memref_slice %arg5[%dma_wait3A_317, %dma_wait3A_318, %dma_wait3A_319] : memref<3x1x128xi32, #tpu.memory_space<vmem>> -> memref<1x1x128xi32, #tpu.memory_space<vmem>>
        %dma_wait3A_321 = tpu.memref_squeeze %dma_wait3A_320 : memref<1x1x128xi32, #tpu.memory_space<vmem>> -> memref<1x128xi32, #tpu.memory_space<vmem>>
        %dma_wait3A_322 = arith.constant 0 : i32
        %dma_wait3A_323 = tpu.memref_slice %arg3[%add3A_316, %dma_wait3A_322] : memref<6400x128xi32, #tpu.memory_space<hbm>> -> memref<1x128xi32, #tpu.memory_space<hbm>>
        %dma_wait3A_324 = arith.constant 0 : i32
        %dma_wait3A_325 = arith.constant 0 : i32
        %dma_wait3A_326 = tpu.memref_slice %arg5[%dma_wait3A_317, %dma_wait3A_324, %dma_wait3A_325] : memref<3x1x128xi32, #tpu.memory_space<vmem>> -> memref<1x1x128xi32, #tpu.memory_space<vmem>>
        %dma_wait3A_327 = tpu.memref_squeeze %dma_wait3A_326 : memref<1x1x128xi32, #tpu.memory_space<vmem>> -> memref<1x128xi32, #tpu.memory_space<vmem>>
        %dma_wait3A_328 = arith.constant 0 : i32
        %dma_wait3A_329 = tpu.memref_slice %arg3[%add3A_316, %dma_wait3A_328] : memref<6400x128xi32, #tpu.memory_space<hbm>> -> memref<1x128xi32, #tpu.memory_space<hbm>>
        tpu.wait_dma2 semaphore(%arg8 : memref<!tpu.dma_semaphore, #tpu.memory_space<semaphore_mem>>) src(%dma_wait3A_329 : memref<1x128xi32, #tpu.memory_space<hbm>>) dst(%dma_wait3A_327 : memref<1x128xi32, #tpu.memory_space<vmem>>)
        %ge3A = arith.constant 1 : i32
        %ge3A_330 = arith.cmpi sge, %add3A_169, %ge3A : i32
        %convert_element_type3A_331 = arith.extui %ge3A_330 : i1 to i32
        %cond3A_332 = arith.constant 0 : i32
        %cond3A_333 = arith.cmpi ne, %convert_element_type3A_331, %cond3A_332 : i32
        scf.if %cond3A_333 {
          %sub3A = arith.constant 1 : i32
          %sub3A_349 = arith.subi %add3A_169, %sub3A : i32
          %mul3A_350 = arith.constant 1 : i32
          %mul3A_351 = arith.muli %sub3A_349, %mul3A_350 : i32
          %add3A_352 = arith.addi %mul3A_2, %mul3A_351 : i32
          %mul3A_353 = arith.constant 128 : i32
          %mul3A_354 = arith.muli %add3A_352, %mul3A_353 : i32
          %dma_wait3A_355 = arith.constant 2 : i32
          %dma_wait3A_356 = arith.constant 0 : i32
          %dma_wait3A_357 = arith.constant 0 : i32
          %dma_wait3A_358 = tpu.memref_slice %arg6[%dma_wait3A_355, %dma_wait3A_356, %dma_wait3A_357] : memref<3x128x128xf32, #tpu.memory_space<vmem>> -> memref<1x128x128xf32, #tpu.memory_space<vmem>>
          %dma_wait3A_359 = tpu.memref_squeeze %dma_wait3A_358 : memref<1x128x128xf32, #tpu.memory_space<vmem>> -> memref<128x128xf32, #tpu.memory_space<vmem>>
          %dma_wait3A_360 = arith.constant 0 : i32
          %dma_wait3A_361 = tpu.memref_slice %arg4[%mul3A_354, %dma_wait3A_360] : memref<819200x128xf32, #tpu.memory_space<hbm>> -> memref<128x128xf32, #tpu.memory_space<hbm>>
          %dma_wait3A_362 = arith.constant 0 : i32
          %dma_wait3A_363 = tpu.memref_slice %arg4[%mul3A_354, %dma_wait3A_362] : memref<819200x128xf32, #tpu.memory_space<hbm>> -> memref<128x128xf32, #tpu.memory_space<hbm>>
          %dma_wait3A_364 = arith.constant 0 : i32
          %dma_wait3A_365 = arith.constant 0 : i32
          %dma_wait3A_366 = tpu.memref_slice %arg6[%dma_wait3A_355, %dma_wait3A_364, %dma_wait3A_365] : memref<3x128x128xf32, #tpu.memory_space<vmem>> -> memref<1x128x128xf32, #tpu.memory_space<vmem>>
          %dma_wait3A_367 = tpu.memref_squeeze %dma_wait3A_366 : memref<1x128x128xf32, #tpu.memory_space<vmem>> -> memref<128x128xf32, #tpu.memory_space<vmem>>
          tpu.wait_dma2 semaphore(%arg12 : memref<!tpu.dma_semaphore, #tpu.memory_space<semaphore_mem>>) src(%dma_wait3A_367 : memref<128x128xf32, #tpu.memory_space<vmem>>) dst(%dma_wait3A_363 : memref<128x128xf32, #tpu.memory_space<hbm>>)
        } else {
        }
        %add3A_334 = arith.constant 2 : i32
        %add3A_335 = arith.addi %add3A_169, %add3A_334 : i32
        %dma_start3A_336 = arith.constant 2 : i32
        %dma_start3A_337 = arith.constant 0 : i32
        %dma_start3A_338 = arith.constant 2 : i32
        %dma_start3A_339 = arith.constant 0 : i32
        %dma_start3A_340 = arith.constant 0 : i32
        %dma_start3A_341 = tpu.memref_slice %arg6[%dma_start3A_338, %dma_start3A_339, %dma_start3A_340] : memref<3x128x128xf32, #tpu.memory_space<vmem>> -> memref<1x128x128xf32, #tpu.memory_space<vmem>>
        %dma_start3A_342 = tpu.memref_squeeze %dma_start3A_341 : memref<1x128x128xf32, #tpu.memory_space<vmem>> -> memref<128x128xf32, #tpu.memory_space<vmem>>
        %dma_start3A_343 = arith.constant 0 : i32
        %dma_start3A_344 = tpu.memref_slice %arg5[%dma_start3A_336, %dma_start3A_337, %dma_start3A_343] : memref<3x1x128xi32, #tpu.memory_space<vmem>> -> memref<1x1x128xi32, #tpu.memory_space<vmem>>
        %dma_start3A_345 = tpu.memref_squeeze %dma_start3A_344 : memref<1x1x128xi32, #tpu.memory_space<vmem>> -> memref<128xi32, #tpu.memory_space<vmem>>
        %dma_start3A_346 = arith.constant 0 : i32
        %dma_start3A_347 = arith.constant 0 : i32
        %dma_start3A_348 = tpu.memref_slice %arg7[%dma_start3A_346, %dma_start3A_347] : memref<8192x128xf32, #tpu.memory_space<vmem_shared>> -> memref<8192x128xf32, #tpu.memory_space<vmem_shared>>
        tpu.enqueue_indirect_dma source(%dma_start3A_348 : memref<8192x128xf32, #tpu.memory_space<vmem_shared>>) target(%dma_start3A_342 : memref<128x128xf32, #tpu.memory_space<vmem>>) offsets(%dma_start3A_345 : memref<128xi32, #tpu.memory_space<vmem>>) semaphore(%arg9 : memref<!tpu.dma_semaphore, #tpu.memory_space<semaphore_mem>>)
      } else {
      }
      %add3A_207 = arith.constant 3 : i32
      %add3A_208 = arith.addi %add3A_169, %add3A_207 : i32
      %lt3A_209 = arith.constant 200 : i32
      %lt3A_210 = arith.cmpi slt, %add3A_208, %lt3A_209 : i32
      %convert_element_type3A_211 = arith.extui %lt3A_210 : i1 to i32
      %cond3A_212 = arith.constant 0 : i32
      %cond3A_213 = arith.cmpi ne, %convert_element_type3A_211, %cond3A_212 : i32
      scf.if %cond3A_213 {
        %add3A_312 = arith.constant 3 : i32
        %add3A_313 = arith.addi %add3A_169, %add3A_312 : i32
        %mul3A_314 = arith.constant 1 : i32
        %mul3A_315 = arith.muli %add3A_313, %mul3A_314 : i32
        %add3A_316 = arith.addi %mul3A_2, %mul3A_315 : i32
        %dma_start3A_317 = arith.constant 0 : i32
        %dma_start3A_318 = arith.constant 0 : i32
        %dma_start3A_319 = arith.constant 0 : i32
        %dma_start3A_320 = tpu.memref_slice %arg5[%dma_start3A_317, %dma_start3A_318, %dma_start3A_319] : memref<3x1x128xi32, #tpu.memory_space<vmem>> -> memref<1x1x128xi32, #tpu.memory_space<vmem>>
        %dma_start3A_321 = tpu.memref_squeeze %dma_start3A_320 : memref<1x1x128xi32, #tpu.memory_space<vmem>> -> memref<1x128xi32, #tpu.memory_space<vmem>>
        %dma_start3A_322 = arith.constant 0 : i32
        %dma_start3A_323 = tpu.memref_slice %arg3[%add3A_316, %dma_start3A_322] : memref<6400x128xi32, #tpu.memory_space<hbm>> -> memref<1x128xi32, #tpu.memory_space<hbm>>
        %dma_start3A_324 = arith.constant 0 : i32
        %dma_start3A_325 = arith.constant 0 : i32
        %dma_start3A_326 = tpu.memref_slice %arg5[%dma_start3A_317, %dma_start3A_324, %dma_start3A_325] : memref<3x1x128xi32, #tpu.memory_space<vmem>> -> memref<1x1x128xi32, #tpu.memory_space<vmem>>
        %dma_start3A_327 = tpu.memref_squeeze %dma_start3A_326 : memref<1x1x128xi32, #tpu.memory_space<vmem>> -> memref<1x128xi32, #tpu.memory_space<vmem>>
        %dma_start3A_328 = arith.constant 0 : i32
        %dma_start3A_329 = tpu.memref_slice %arg3[%add3A_316, %dma_start3A_328] : memref<6400x128xi32, #tpu.memory_space<hbm>> -> memref<1x128xi32, #tpu.memory_space<hbm>>
        tpu.enqueue_dma source(%dma_start3A_329 : memref<1x128xi32, #tpu.memory_space<hbm>>) target(%dma_start3A_327 : memref<1x128xi32, #tpu.memory_space<vmem>>) target_semaphore(%arg8 : memref<!tpu.dma_semaphore, #tpu.memory_space<semaphore_mem>>)
      } else {
      }
      %mul3A_214 = arith.constant 3 : i32
      %mul3A_215 = arith.muli %mul3A_214, %scan3A_165 : i32
      %add3A_216 = arith.constant 1 : i32
      %add3A_217 = arith.addi %mul3A_215, %add3A_216 : i32
      %dma_wait3A_218 = arith.constant 1 : i32
      %dma_wait3A_219 = arith.constant 0 : i32
      %dma_wait3A_220 = arith.constant 1 : i32
      %dma_wait3A_221 = arith.constant 0 : i32
      %dma_wait3A_222 = arith.constant 0 : i32
      %dma_wait3A_223 = tpu.memref_slice %arg6[%dma_wait3A_220, %dma_wait3A_221, %dma_wait3A_222] : memref<3x128x128xf32, #tpu.memory_space<vmem>> -> memref<1x128x128xf32, #tpu.memory_space<vmem>>
      %dma_wait3A_224 = tpu.memref_squeeze %dma_wait3A_223 : memref<1x128x128xf32, #tpu.memory_space<vmem>> -> memref<128x128xf32, #tpu.memory_space<vmem>>
      %dma_wait3A_225 = arith.constant 0 : i32
      %dma_wait3A_226 = tpu.memref_slice %arg5[%dma_wait3A_218, %dma_wait3A_219, %dma_wait3A_225] : memref<3x1x128xi32, #tpu.memory_space<vmem>> -> memref<1x1x128xi32, #tpu.memory_space<vmem>>
      %dma_wait3A_227 = tpu.memref_squeeze %dma_wait3A_226 : memref<1x1x128xi32, #tpu.memory_space<vmem>> -> memref<128xi32, #tpu.memory_space<vmem>>
      %dma_wait3A_228 = arith.constant 0 : i32
      %dma_wait3A_229 = arith.constant 0 : i32
      %dma_wait3A_230 = tpu.memref_slice %arg7[%dma_wait3A_228, %dma_wait3A_229] : memref<8192x128xf32, #tpu.memory_space<vmem_shared>> -> memref<8192x128xf32, #tpu.memory_space<vmem_shared>>
      tpu.wait_indirect_dma semaphore(%arg9 : memref<!tpu.dma_semaphore, #tpu.memory_space<semaphore_mem>>) src(%dma_wait3A_230 : memref<8192x128xf32, #tpu.memory_space<vmem_shared>>) dst(%dma_wait3A_224 : memref<128x128xf32, #tpu.memory_space<vmem>>)
      %mul3A_231 = arith.constant 1 : i32
      %mul3A_232 = arith.muli %add3A_217, %mul3A_231 : i32
      %add3A_233 = arith.addi %mul3A_2, %mul3A_232 : i32
      %mul3A_234 = arith.constant 128 : i32
      %mul3A_235 = arith.muli %add3A_233, %mul3A_234 : i32
      %dma_start3A_236 = arith.constant 1 : i32
      %dma_start3A_237 = arith.constant 0 : i32
      %dma_start3A_238 = arith.constant 0 : i32
      %dma_start3A_239 = tpu.memref_slice %arg6[%dma_start3A_236, %dma_start3A_237, %dma_start3A_238] : memref<3x128x128xf32, #tpu.memory_space<vmem>> -> memref<1x128x128xf32, #tpu.memory_space<vmem>>
      %dma_start3A_240 = tpu.memref_squeeze %dma_start3A_239 : memref<1x128x128xf32, #tpu.memory_space<vmem>> -> memref<128x128xf32, #tpu.memory_space<vmem>>
      %dma_start3A_241 = arith.constant 0 : i32
      %dma_start3A_242 = tpu.memref_slice %arg4[%mul3A_235, %dma_start3A_241] : memref<819200x128xf32, #tpu.memory_space<hbm>> -> memref<128x128xf32, #tpu.memory_space<hbm>>
      %dma_start3A_243 = arith.constant 0 : i32
      %dma_start3A_244 = tpu.memref_slice %arg4[%mul3A_235, %dma_start3A_243] : memref<819200x128xf32, #tpu.memory_space<hbm>> -> memref<128x128xf32, #tpu.memory_space<hbm>>
      %dma_start3A_245 = arith.constant 0 : i32
      %dma_start3A_246 = arith.constant 0 : i32
      %dma_start3A_247 = tpu.memref_slice %arg6[%dma_start3A_236, %dma_start3A_245, %dma_start3A_246] : memref<3x128x128xf32, #tpu.memory_space<vmem>> -> memref<1x128x128xf32, #tpu.memory_space<vmem>>
      %dma_start3A_248 = tpu.memref_squeeze %dma_start3A_247 : memref<1x128x128xf32, #tpu.memory_space<vmem>> -> memref<128x128xf32, #tpu.memory_space<vmem>>
      tpu.enqueue_dma source(%dma_start3A_248 : memref<128x128xf32, #tpu.memory_space<vmem>>) target(%dma_start3A_244 : memref<128x128xf32, #tpu.memory_space<hbm>>) target_semaphore(%arg11 : memref<!tpu.dma_semaphore, #tpu.memory_space<semaphore_mem>>)
      %add3A_249 = arith.constant 2 : i32
      %add3A_250 = arith.addi %add3A_217, %add3A_249 : i32
      %lt3A_251 = arith.constant 200 : i32
      %lt3A_252 = arith.cmpi slt, %add3A_250, %lt3A_251 : i32
      %convert_element_type3A_253 = arith.extui %lt3A_252 : i1 to i32
      %cond3A_254 = arith.constant 0 : i32
      %cond3A_255 = arith.cmpi ne, %convert_element_type3A_253, %cond3A_254 : i32
      scf.if %cond3A_255 {
        %add3A_312 = arith.constant 2 : i32
        %add3A_313 = arith.addi %add3A_217, %add3A_312 : i32
        %mul3A_314 = arith.constant 1 : i32
        %mul3A_315 = arith.muli %add3A_313, %mul3A_314 : i32
        %add3A_316 = arith.addi %mul3A_2, %mul3A_315 : i32
        %dma_wait3A_317 = arith.constant 0 : i32
        %dma_wait3A_318 = arith.constant 0 : i32
        %dma_wait3A_319 = arith.constant 0 : i32
        %dma_wait3A_320 = tpu.memref_slice %arg5[%dma_wait3A_317, %dma_wait3A_318, %dma_wait3A_319] : memref<3x1x128xi32, #tpu.memory_space<vmem>> -> memref<1x1x128xi32, #tpu.memory_space<vmem>>
        %dma_wait3A_321 = tpu.memref_squeeze %dma_wait3A_320 : memref<1x1x128xi32, #tpu.memory_space<vmem>> -> memref<1x128xi32, #tpu.memory_space<vmem>>
        %dma_wait3A_322 = arith.constant 0 : i32
        %dma_wait3A_323 = tpu.memref_slice %arg3[%add3A_316, %dma_wait3A_322] : memref<6400x128xi32, #tpu.memory_space<hbm>> -> memref<1x128xi32, #tpu.memory_space<hbm>>
        %dma_wait3A_324 = arith.constant 0 : i32
        %dma_wait3A_325 = arith.constant 0 : i32
        %dma_wait3A_326 = tpu.memref_slice %arg5[%dma_wait3A_317, %dma_wait3A_324, %dma_wait3A_325] : memref<3x1x128xi32, #tpu.memory_space<vmem>> -> memref<1x1x128xi32, #tpu.memory_space<vmem>>
        %dma_wait3A_327 = tpu.memref_squeeze %dma_wait3A_326 : memref<1x1x128xi32, #tpu.memory_space<vmem>> -> memref<1x128xi32, #tpu.memory_space<vmem>>
        %dma_wait3A_328 = arith.constant 0 : i32
        %dma_wait3A_329 = tpu.memref_slice %arg3[%add3A_316, %dma_wait3A_328] : memref<6400x128xi32, #tpu.memory_space<hbm>> -> memref<1x128xi32, #tpu.memory_space<hbm>>
        tpu.wait_dma2 semaphore(%arg8 : memref<!tpu.dma_semaphore, #tpu.memory_space<semaphore_mem>>) src(%dma_wait3A_329 : memref<1x128xi32, #tpu.memory_space<hbm>>) dst(%dma_wait3A_327 : memref<1x128xi32, #tpu.memory_space<vmem>>)
        %ge3A = arith.constant 1 : i32
        %ge3A_330 = arith.cmpi sge, %add3A_217, %ge3A : i32
        %convert_element_type3A_331 = arith.extui %ge3A_330 : i1 to i32
        %cond3A_332 = arith.constant 0 : i32
        %cond3A_333 = arith.cmpi ne, %convert_element_type3A_331, %cond3A_332 : i32
        scf.if %cond3A_333 {
          %sub3A = arith.constant 1 : i32
          %sub3A_349 = arith.subi %add3A_217, %sub3A : i32
          %mul3A_350 = arith.constant 1 : i32
          %mul3A_351 = arith.muli %sub3A_349, %mul3A_350 : i32
          %add3A_352 = arith.addi %mul3A_2, %mul3A_351 : i32
          %mul3A_353 = arith.constant 128 : i32
          %mul3A_354 = arith.muli %add3A_352, %mul3A_353 : i32
          %dma_wait3A_355 = arith.constant 0 : i32
          %dma_wait3A_356 = arith.constant 0 : i32
          %dma_wait3A_357 = arith.constant 0 : i32
          %dma_wait3A_358 = tpu.memref_slice %arg6[%dma_wait3A_355, %dma_wait3A_356, %dma_wait3A_357] : memref<3x128x128xf32, #tpu.memory_space<vmem>> -> memref<1x128x128xf32, #tpu.memory_space<vmem>>
          %dma_wait3A_359 = tpu.memref_squeeze %dma_wait3A_358 : memref<1x128x128xf32, #tpu.memory_space<vmem>> -> memref<128x128xf32, #tpu.memory_space<vmem>>
          %dma_wait3A_360 = arith.constant 0 : i32
          %dma_wait3A_361 = tpu.memref_slice %arg4[%mul3A_354, %dma_wait3A_360] : memref<819200x128xf32, #tpu.memory_space<hbm>> -> memref<128x128xf32, #tpu.memory_space<hbm>>
          %dma_wait3A_362 = arith.constant 0 : i32
          %dma_wait3A_363 = tpu.memref_slice %arg4[%mul3A_354, %dma_wait3A_362] : memref<819200x128xf32, #tpu.memory_space<hbm>> -> memref<128x128xf32, #tpu.memory_space<hbm>>
          %dma_wait3A_364 = arith.constant 0 : i32
          %dma_wait3A_365 = arith.constant 0 : i32
          %dma_wait3A_366 = tpu.memref_slice %arg6[%dma_wait3A_355, %dma_wait3A_364, %dma_wait3A_365] : memref<3x128x128xf32, #tpu.memory_space<vmem>> -> memref<1x128x128xf32, #tpu.memory_space<vmem>>
          %dma_wait3A_367 = tpu.memref_squeeze %dma_wait3A_366 : memref<1x128x128xf32, #tpu.memory_space<vmem>> -> memref<128x128xf32, #tpu.memory_space<vmem>>
          tpu.wait_dma2 semaphore(%arg10 : memref<!tpu.dma_semaphore, #tpu.memory_space<semaphore_mem>>) src(%dma_wait3A_367 : memref<128x128xf32, #tpu.memory_space<vmem>>) dst(%dma_wait3A_363 : memref<128x128xf32, #tpu.memory_space<hbm>>)
        } else {
        }
        %add3A_334 = arith.constant 2 : i32
        %add3A_335 = arith.addi %add3A_217, %add3A_334 : i32
        %dma_start3A_336 = arith.constant 0 : i32
        %dma_start3A_337 = arith.constant 0 : i32
        %dma_start3A_338 = arith.constant 0 : i32
        %dma_start3A_339 = arith.constant 0 : i32
        %dma_start3A_340 = arith.constant 0 : i32
        %dma_start3A_341 = tpu.memref_slice %arg6[%dma_start3A_338, %dma_start3A_339, %dma_start3A_340] : memref<3x128x128xf32, #tpu.memory_space<vmem>> -> memref<1x128x128xf32, #tpu.memory_space<vmem>>
        %dma_start3A_342 = tpu.memref_squeeze %dma_start3A_341 : memref<1x128x128xf32, #tpu.memory_space<vmem>> -> memref<128x128xf32, #tpu.memory_space<vmem>>
        %dma_start3A_343 = arith.constant 0 : i32
        %dma_start3A_344 = tpu.memref_slice %arg5[%dma_start3A_336, %dma_start3A_337, %dma_start3A_343] : memref<3x1x128xi32, #tpu.memory_space<vmem>> -> memref<1x1x128xi32, #tpu.memory_space<vmem>>
        %dma_start3A_345 = tpu.memref_squeeze %dma_start3A_344 : memref<1x1x128xi32, #tpu.memory_space<vmem>> -> memref<128xi32, #tpu.memory_space<vmem>>
        %dma_start3A_346 = arith.constant 0 : i32
        %dma_start3A_347 = arith.constant 0 : i32
        %dma_start3A_348 = tpu.memref_slice %arg7[%dma_start3A_346, %dma_start3A_347] : memref<8192x128xf32, #tpu.memory_space<vmem_shared>> -> memref<8192x128xf32, #tpu.memory_space<vmem_shared>>
        tpu.enqueue_indirect_dma source(%dma_start3A_348 : memref<8192x128xf32, #tpu.memory_space<vmem_shared>>) target(%dma_start3A_342 : memref<128x128xf32, #tpu.memory_space<vmem>>) offsets(%dma_start3A_345 : memref<128xi32, #tpu.memory_space<vmem>>) semaphore(%arg9 : memref<!tpu.dma_semaphore, #tpu.memory_space<semaphore_mem>>)
      } else {
      }
      %add3A_256 = arith.constant 3 : i32
      %add3A_257 = arith.addi %add3A_217, %add3A_256 : i32
      %lt3A_258 = arith.constant 200 : i32
      %lt3A_259 = arith.cmpi slt, %add3A_257, %lt3A_258 : i32
      %convert_element_type3A_260 = arith.extui %lt3A_259 : i1 to i32
      %cond3A_261 = arith.constant 0 : i32
      %cond3A_262 = arith.cmpi ne, %convert_element_type3A_260, %cond3A_261 : i32
      scf.if %cond3A_262 {
        %add3A_312 = arith.constant 3 : i32
        %add3A_313 = arith.addi %add3A_217, %add3A_312 : i32
        %mul3A_314 = arith.constant 1 : i32
        %mul3A_315 = arith.muli %add3A_313, %mul3A_314 : i32
        %add3A_316 = arith.addi %mul3A_2, %mul3A_315 : i32
        %dma_start3A_317 = arith.constant 1 : i32
        %dma_start3A_318 = arith.constant 0 : i32
        %dma_start3A_319 = arith.constant 0 : i32
        %dma_start3A_320 = tpu.memref_slice %arg5[%dma_start3A_317, %dma_start3A_318, %dma_start3A_319] : memref<3x1x128xi32, #tpu.memory_space<vmem>> -> memref<1x1x128xi32, #tpu.memory_space<vmem>>
        %dma_start3A_321 = tpu.memref_squeeze %dma_start3A_320 : memref<1x1x128xi32, #tpu.memory_space<vmem>> -> memref<1x128xi32, #tpu.memory_space<vmem>>
        %dma_start3A_322 = arith.constant 0 : i32
        %dma_start3A_323 = tpu.memref_slice %arg3[%add3A_316, %dma_start3A_322] : memref<6400x128xi32, #tpu.memory_space<hbm>> -> memref<1x128xi32, #tpu.memory_space<hbm>>
        %dma_start3A_324 = arith.constant 0 : i32
        %dma_start3A_325 = arith.constant 0 : i32
        %dma_start3A_326 = tpu.memref_slice %arg5[%dma_start3A_317, %dma_start3A_324, %dma_start3A_325] : memref<3x1x128xi32, #tpu.memory_space<vmem>> -> memref<1x1x128xi32, #tpu.memory_space<vmem>>
        %dma_start3A_327 = tpu.memref_squeeze %dma_start3A_326 : memref<1x1x128xi32, #tpu.memory_space<vmem>> -> memref<1x128xi32, #tpu.memory_space<vmem>>
        %dma_start3A_328 = arith.constant 0 : i32
        %dma_start3A_329 = tpu.memref_slice %arg3[%add3A_316, %dma_start3A_328] : memref<6400x128xi32, #tpu.memory_space<hbm>> -> memref<1x128xi32, #tpu.memory_space<hbm>>
        tpu.enqueue_dma source(%dma_start3A_329 : memref<1x128xi32, #tpu.memory_space<hbm>>) target(%dma_start3A_327 : memref<1x128xi32, #tpu.memory_space<vmem>>) target_semaphore(%arg8 : memref<!tpu.dma_semaphore, #tpu.memory_space<semaphore_mem>>)
      } else {
      }
      %mul3A_263 = arith.constant 3 : i32
      %mul3A_264 = arith.muli %mul3A_263, %scan3A_165 : i32
      %add3A_265 = arith.constant 2 : i32
      %add3A_266 = arith.addi %mul3A_264, %add3A_265 : i32
      %dma_wait3A_267 = arith.constant 2 : i32
      %dma_wait3A_268 = arith.constant 0 : i32
      %dma_wait3A_269 = arith.constant 2 : i32
      %dma_wait3A_270 = arith.constant 0 : i32
      %dma_wait3A_271 = arith.constant 0 : i32
      %dma_wait3A_272 = tpu.memref_slice %arg6[%dma_wait3A_269, %dma_wait3A_270, %dma_wait3A_271] : memref<3x128x128xf32, #tpu.memory_space<vmem>> -> memref<1x128x128xf32, #tpu.memory_space<vmem>>
      %dma_wait3A_273 = tpu.memref_squeeze %dma_wait3A_272 : memref<1x128x128xf32, #tpu.memory_space<vmem>> -> memref<128x128xf32, #tpu.memory_space<vmem>>
      %dma_wait3A_274 = arith.constant 0 : i32
      %dma_wait3A_275 = tpu.memref_slice %arg5[%dma_wait3A_267, %dma_wait3A_268, %dma_wait3A_274] : memref<3x1x128xi32, #tpu.memory_space<vmem>> -> memref<1x1x128xi32, #tpu.memory_space<vmem>>
      %dma_wait3A_276 = tpu.memref_squeeze %dma_wait3A_275 : memref<1x1x128xi32, #tpu.memory_space<vmem>> -> memref<128xi32, #tpu.memory_space<vmem>>
      %dma_wait3A_277 = arith.constant 0 : i32
      %dma_wait3A_278 = arith.constant 0 : i32
      %dma_wait3A_279 = tpu.memref_slice %arg7[%dma_wait3A_277, %dma_wait3A_278] : memref<8192x128xf32, #tpu.memory_space<vmem_shared>> -> memref<8192x128xf32, #tpu.memory_space<vmem_shared>>
      tpu.wait_indirect_dma semaphore(%arg9 : memref<!tpu.dma_semaphore, #tpu.memory_space<semaphore_mem>>) src(%dma_wait3A_279 : memref<8192x128xf32, #tpu.memory_space<vmem_shared>>) dst(%dma_wait3A_273 : memref<128x128xf32, #tpu.memory_space<vmem>>)
      %mul3A_280 = arith.constant 1 : i32
      %mul3A_281 = arith.muli %add3A_266, %mul3A_280 : i32
      %add3A_282 = arith.addi %mul3A_2, %mul3A_281 : i32
      %mul3A_283 = arith.constant 128 : i32
      %mul3A_284 = arith.muli %add3A_282, %mul3A_283 : i32
      %dma_start3A_285 = arith.constant 2 : i32
      %dma_start3A_286 = arith.constant 0 : i32
      %dma_start3A_287 = arith.constant 0 : i32
      %dma_start3A_288 = tpu.memref_slice %arg6[%dma_start3A_285, %dma_start3A_286, %dma_start3A_287] : memref<3x128x128xf32, #tpu.memory_space<vmem>> -> memref<1x128x128xf32, #tpu.memory_space<vmem>>
      %dma_start3A_289 = tpu.memref_squeeze %dma_start3A_288 : memref<1x128x128xf32, #tpu.memory_space<vmem>> -> memref<128x128xf32, #tpu.memory_space<vmem>>
      %dma_start3A_290 = arith.constant 0 : i32
      %dma_start3A_291 = tpu.memref_slice %arg4[%mul3A_284, %dma_start3A_290] : memref<819200x128xf32, #tpu.memory_space<hbm>> -> memref<128x128xf32, #tpu.memory_space<hbm>>
      %dma_start3A_292 = arith.constant 0 : i32
      %dma_start3A_293 = tpu.memref_slice %arg4[%mul3A_284, %dma_start3A_292] : memref<819200x128xf32, #tpu.memory_space<hbm>> -> memref<128x128xf32, #tpu.memory_space<hbm>>
      %dma_start3A_294 = arith.constant 0 : i32
      %dma_start3A_295 = arith.constant 0 : i32
      %dma_start3A_296 = tpu.memref_slice %arg6[%dma_start3A_285, %dma_start3A_294, %dma_start3A_295] : memref<3x128x128xf32, #tpu.memory_space<vmem>> -> memref<1x128x128xf32, #tpu.memory_space<vmem>>
      %dma_start3A_297 = tpu.memref_squeeze %dma_start3A_296 : memref<1x128x128xf32, #tpu.memory_space<vmem>> -> memref<128x128xf32, #tpu.memory_space<vmem>>
      tpu.enqueue_dma source(%dma_start3A_297 : memref<128x128xf32, #tpu.memory_space<vmem>>) target(%dma_start3A_293 : memref<128x128xf32, #tpu.memory_space<hbm>>) target_semaphore(%arg12 : memref<!tpu.dma_semaphore, #tpu.memory_space<semaphore_mem>>)
      %add3A_298 = arith.constant 2 : i32
      %add3A_299 = arith.addi %add3A_266, %add3A_298 : i32
      %lt3A_300 = arith.constant 200 : i32
      %lt3A_301 = arith.cmpi slt, %add3A_299, %lt3A_300 : i32
      %convert_element_type3A_302 = arith.extui %lt3A_301 : i1 to i32
      %cond3A_303 = arith.constant 0 : i32
      %cond3A_304 = arith.cmpi ne, %convert_element_type3A_302, %cond3A_303 : i32
      scf.if %cond3A_304 {
        %add3A_312 = arith.constant 2 : i32
        %add3A_313 = arith.addi %add3A_266, %add3A_312 : i32
        %mul3A_314 = arith.constant 1 : i32
        %mul3A_315 = arith.muli %add3A_313, %mul3A_314 : i32
        %add3A_316 = arith.addi %mul3A_2, %mul3A_315 : i32
        %dma_wait3A_317 = arith.constant 1 : i32
        %dma_wait3A_318 = arith.constant 0 : i32
        %dma_wait3A_319 = arith.constant 0 : i32
        %dma_wait3A_320 = tpu.memref_slice %arg5[%dma_wait3A_317, %dma_wait3A_318, %dma_wait3A_319] : memref<3x1x128xi32, #tpu.memory_space<vmem>> -> memref<1x1x128xi32, #tpu.memory_space<vmem>>
        %dma_wait3A_321 = tpu.memref_squeeze %dma_wait3A_320 : memref<1x1x128xi32, #tpu.memory_space<vmem>> -> memref<1x128xi32, #tpu.memory_space<vmem>>
        %dma_wait3A_322 = arith.constant 0 : i32
        %dma_wait3A_323 = tpu.memref_slice %arg3[%add3A_316, %dma_wait3A_322] : memref<6400x128xi32, #tpu.memory_space<hbm>> -> memref<1x128xi32, #tpu.memory_space<hbm>>
        %dma_wait3A_324 = arith.constant 0 : i32
        %dma_wait3A_325 = arith.constant 0 : i32
        %dma_wait3A_326 = tpu.memref_slice %arg5[%dma_wait3A_317, %dma_wait3A_324, %dma_wait3A_325] : memref<3x1x128xi32, #tpu.memory_space<vmem>> -> memref<1x1x128xi32, #tpu.memory_space<vmem>>
        %dma_wait3A_327 = tpu.memref_squeeze %dma_wait3A_326 : memref<1x1x128xi32, #tpu.memory_space<vmem>> -> memref<1x128xi32, #tpu.memory_space<vmem>>
        %dma_wait3A_328 = arith.constant 0 : i32
        %dma_wait3A_329 = tpu.memref_slice %arg3[%add3A_316, %dma_wait3A_328] : memref<6400x128xi32, #tpu.memory_space<hbm>> -> memref<1x128xi32, #tpu.memory_space<hbm>>
        tpu.wait_dma2 semaphore(%arg8 : memref<!tpu.dma_semaphore, #tpu.memory_space<semaphore_mem>>) src(%dma_wait3A_329 : memref<1x128xi32, #tpu.memory_space<hbm>>) dst(%dma_wait3A_327 : memref<1x128xi32, #tpu.memory_space<vmem>>)
        %ge3A = arith.constant 1 : i32
        %ge3A_330 = arith.cmpi sge, %add3A_266, %ge3A : i32
        %convert_element_type3A_331 = arith.extui %ge3A_330 : i1 to i32
        %cond3A_332 = arith.constant 0 : i32
        %cond3A_333 = arith.cmpi ne, %convert_element_type3A_331, %cond3A_332 : i32
        scf.if %cond3A_333 {
          %sub3A = arith.constant 1 : i32
          %sub3A_349 = arith.subi %add3A_266, %sub3A : i32
          %mul3A_350 = arith.constant 1 : i32
          %mul3A_351 = arith.muli %sub3A_349, %mul3A_350 : i32
          %add3A_352 = arith.addi %mul3A_2, %mul3A_351 : i32
          %mul3A_353 = arith.constant 128 : i32
          %mul3A_354 = arith.muli %add3A_352, %mul3A_353 : i32
          %dma_wait3A_355 = arith.constant 1 : i32
          %dma_wait3A_356 = arith.constant 0 : i32
          %dma_wait3A_357 = arith.constant 0 : i32
          %dma_wait3A_358 = tpu.memref_slice %arg6[%dma_wait3A_355, %dma_wait3A_356, %dma_wait3A_357] : memref<3x128x128xf32, #tpu.memory_space<vmem>> -> memref<1x128x128xf32, #tpu.memory_space<vmem>>
          %dma_wait3A_359 = tpu.memref_squeeze %dma_wait3A_358 : memref<1x128x128xf32, #tpu.memory_space<vmem>> -> memref<128x128xf32, #tpu.memory_space<vmem>>
          %dma_wait3A_360 = arith.constant 0 : i32
          %dma_wait3A_361 = tpu.memref_slice %arg4[%mul3A_354, %dma_wait3A_360] : memref<819200x128xf32, #tpu.memory_space<hbm>> -> memref<128x128xf32, #tpu.memory_space<hbm>>
          %dma_wait3A_362 = arith.constant 0 : i32
          %dma_wait3A_363 = tpu.memref_slice %arg4[%mul3A_354, %dma_wait3A_362] : memref<819200x128xf32, #tpu.memory_space<hbm>> -> memref<128x128xf32, #tpu.memory_space<hbm>>
          %dma_wait3A_364 = arith.constant 0 : i32
          %dma_wait3A_365 = arith.constant 0 : i32
          %dma_wait3A_366 = tpu.memref_slice %arg6[%dma_wait3A_355, %dma_wait3A_364, %dma_wait3A_365] : memref<3x128x128xf32, #tpu.memory_space<vmem>> -> memref<1x128x128xf32, #tpu.memory_space<vmem>>
          %dma_wait3A_367 = tpu.memref_squeeze %dma_wait3A_366 : memref<1x128x128xf32, #tpu.memory_space<vmem>> -> memref<128x128xf32, #tpu.memory_space<vmem>>
          tpu.wait_dma2 semaphore(%arg11 : memref<!tpu.dma_semaphore, #tpu.memory_space<semaphore_mem>>) src(%dma_wait3A_367 : memref<128x128xf32, #tpu.memory_space<vmem>>) dst(%dma_wait3A_363 : memref<128x128xf32, #tpu.memory_space<hbm>>)
        } else {
        }
        %add3A_334 = arith.constant 2 : i32
        %add3A_335 = arith.addi %add3A_266, %add3A_334 : i32
        %dma_start3A_336 = arith.constant 1 : i32
        %dma_start3A_337 = arith.constant 0 : i32
        %dma_start3A_338 = arith.constant 1 : i32
        %dma_start3A_339 = arith.constant 0 : i32
        %dma_start3A_340 = arith.constant 0 : i32
        %dma_start3A_341 = tpu.memref_slice %arg6[%dma_start3A_338, %dma_start3A_339, %dma_start3A_340] : memref<3x128x128xf32, #tpu.memory_space<vmem>> -> memref<1x128x128xf32, #tpu.memory_space<vmem>>
        %dma_start3A_342 = tpu.memref_squeeze %dma_start3A_341 : memref<1x128x128xf32, #tpu.memory_space<vmem>> -> memref<128x128xf32, #tpu.memory_space<vmem>>
        %dma_start3A_343 = arith.constant 0 : i32
        %dma_start3A_344 = tpu.memref_slice %arg5[%dma_start3A_336, %dma_start3A_337, %dma_start3A_343] : memref<3x1x128xi32, #tpu.memory_space<vmem>> -> memref<1x1x128xi32, #tpu.memory_space<vmem>>
        %dma_start3A_345 = tpu.memref_squeeze %dma_start3A_344 : memref<1x1x128xi32, #tpu.memory_space<vmem>> -> memref<128xi32, #tpu.memory_space<vmem>>
        %dma_start3A_346 = arith.constant 0 : i32
        %dma_start3A_347 = arith.constant 0 : i32
        %dma_start3A_348 = tpu.memref_slice %arg7[%dma_start3A_346, %dma_start3A_347] : memref<8192x128xf32, #tpu.memory_space<vmem_shared>> -> memref<8192x128xf32, #tpu.memory_space<vmem_shared>>
        tpu.enqueue_indirect_dma source(%dma_start3A_348 : memref<8192x128xf32, #tpu.memory_space<vmem_shared>>) target(%dma_start3A_342 : memref<128x128xf32, #tpu.memory_space<vmem>>) offsets(%dma_start3A_345 : memref<128xi32, #tpu.memory_space<vmem>>) semaphore(%arg9 : memref<!tpu.dma_semaphore, #tpu.memory_space<semaphore_mem>>)
      } else {
      }
      %add3A_305 = arith.constant 3 : i32
      %add3A_306 = arith.addi %add3A_266, %add3A_305 : i32
      %lt3A_307 = arith.constant 200 : i32
      %lt3A_308 = arith.cmpi slt, %add3A_306, %lt3A_307 : i32
      %convert_element_type3A_309 = arith.extui %lt3A_308 : i1 to i32
      %cond3A_310 = arith.constant 0 : i32
      %cond3A_311 = arith.cmpi ne, %convert_element_type3A_309, %cond3A_310 : i32
      scf.if %cond3A_311 {
        %add3A_312 = arith.constant 3 : i32
        %add3A_313 = arith.addi %add3A_266, %add3A_312 : i32
        %mul3A_314 = arith.constant 1 : i32
        %mul3A_315 = arith.muli %add3A_313, %mul3A_314 : i32
        %add3A_316 = arith.addi %mul3A_2, %mul3A_315 : i32
        %dma_start3A_317 = arith.constant 2 : i32
        %dma_start3A_318 = arith.constant 0 : i32
        %dma_start3A_319 = arith.constant 0 : i32
        %dma_start3A_320 = tpu.memref_slice %arg5[%dma_start3A_317, %dma_start3A_318, %dma_start3A_319] : memref<3x1x128xi32, #tpu.memory_space<vmem>> -> memref<1x1x128xi32, #tpu.memory_space<vmem>>
        %dma_start3A_321 = tpu.memref_squeeze %dma_start3A_320 : memref<1x1x128xi32, #tpu.memory_space<vmem>> -> memref<1x128xi32, #tpu.memory_space<vmem>>
        %dma_start3A_322 = arith.constant 0 : i32
        %dma_start3A_323 = tpu.memref_slice %arg3[%add3A_316, %dma_start3A_322] : memref<6400x128xi32, #tpu.memory_space<hbm>> -> memref<1x128xi32, #tpu.memory_space<hbm>>
        %dma_start3A_324 = arith.constant 0 : i32
        %dma_start3A_325 = arith.constant 0 : i32
        %dma_start3A_326 = tpu.memref_slice %arg5[%dma_start3A_317, %dma_start3A_324, %dma_start3A_325] : memref<3x1x128xi32, #tpu.memory_space<vmem>> -> memref<1x1x128xi32, #tpu.memory_space<vmem>>
        %dma_start3A_327 = tpu.memref_squeeze %dma_start3A_326 : memref<1x1x128xi32, #tpu.memory_space<vmem>> -> memref<1x128xi32, #tpu.memory_space<vmem>>
        %dma_start3A_328 = arith.constant 0 : i32
        %dma_start3A_329 = tpu.memref_slice %arg3[%add3A_316, %dma_start3A_328] : memref<6400x128xi32, #tpu.memory_space<hbm>> -> memref<1x128xi32, #tpu.memory_space<hbm>>
        tpu.enqueue_dma source(%dma_start3A_329 : memref<1x128xi32, #tpu.memory_space<hbm>>) target(%dma_start3A_327 : memref<1x128xi32, #tpu.memory_space<vmem>>) target_semaphore(%arg8 : memref<!tpu.dma_semaphore, #tpu.memory_space<semaphore_mem>>)
      } else {
      }
    }
    %scan3A_54 = arith.constant 66 : i32
    %dma_wait3A = arith.constant 0 : i32
    %dma_wait3A_55 = arith.constant 0 : i32
    %dma_wait3A_56 = arith.constant 0 : i32
    %dma_wait3A_57 = arith.constant 0 : i32
    %dma_wait3A_58 = arith.constant 0 : i32
    %dma_wait3A_59 = tpu.memref_slice %arg6[%dma_wait3A_56, %dma_wait3A_57, %dma_wait3A_58] : memref<3x128x128xf32, #tpu.memory_space<vmem>> -> memref<1x128x128xf32, #tpu.memory_space<vmem>>
    %dma_wait3A_60 = tpu.memref_squeeze %dma_wait3A_59 : memref<1x128x128xf32, #tpu.memory_space<vmem>> -> memref<128x128xf32, #tpu.memory_space<vmem>>
    %dma_wait3A_61 = arith.constant 0 : i32
    %dma_wait3A_62 = tpu.memref_slice %arg5[%dma_wait3A, %dma_wait3A_55, %dma_wait3A_61] : memref<3x1x128xi32, #tpu.memory_space<vmem>> -> memref<1x1x128xi32, #tpu.memory_space<vmem>>
    %dma_wait3A_63 = tpu.memref_squeeze %dma_wait3A_62 : memref<1x1x128xi32, #tpu.memory_space<vmem>> -> memref<128xi32, #tpu.memory_space<vmem>>
    %dma_wait3A_64 = arith.constant 0 : i32
    %dma_wait3A_65 = arith.constant 0 : i32
    %dma_wait3A_66 = tpu.memref_slice %arg7[%dma_wait3A_64, %dma_wait3A_65] : memref<8192x128xf32, #tpu.memory_space<vmem_shared>> -> memref<8192x128xf32, #tpu.memory_space<vmem_shared>>
    tpu.wait_indirect_dma semaphore(%arg9 : memref<!tpu.dma_semaphore, #tpu.memory_space<semaphore_mem>>) src(%dma_wait3A_66 : memref<8192x128xf32, #tpu.memory_space<vmem_shared>>) dst(%dma_wait3A_60 : memref<128x128xf32, #tpu.memory_space<vmem>>)
    %add3A_67 = arith.constant 198 : i32
    %add3A_68 = arith.addi %mul3A_2, %add3A_67 : i32
    %mul3A_69 = arith.constant 128 : i32
    %mul3A_70 = arith.muli %add3A_68, %mul3A_69 : i32
    %dma_start3A_71 = arith.constant 0 : i32
    %dma_start3A_72 = arith.constant 0 : i32
    %dma_start3A_73 = arith.constant 0 : i32
    %dma_start3A_74 = tpu.memref_slice %arg6[%dma_start3A_71, %dma_start3A_72, %dma_start3A_73] : memref<3x128x128xf32, #tpu.memory_space<vmem>> -> memref<1x128x128xf32, #tpu.memory_space<vmem>>
    %dma_start3A_75 = tpu.memref_squeeze %dma_start3A_74 : memref<1x128x128xf32, #tpu.memory_space<vmem>> -> memref<128x128xf32, #tpu.memory_space<vmem>>
    %dma_start3A_76 = arith.constant 0 : i32
    %dma_start3A_77 = tpu.memref_slice %arg4[%mul3A_70, %dma_start3A_76] : memref<819200x128xf32, #tpu.memory_space<hbm>> -> memref<128x128xf32, #tpu.memory_space<hbm>>
    %dma_start3A_78 = arith.constant 0 : i32
    %dma_start3A_79 = tpu.memref_slice %arg4[%mul3A_70, %dma_start3A_78] : memref<819200x128xf32, #tpu.memory_space<hbm>> -> memref<128x128xf32, #tpu.memory_space<hbm>>
    %dma_start3A_80 = arith.constant 0 : i32
    %dma_start3A_81 = arith.constant 0 : i32
    %dma_start3A_82 = tpu.memref_slice %arg6[%dma_start3A_71, %dma_start3A_80, %dma_start3A_81] : memref<3x128x128xf32, #tpu.memory_space<vmem>> -> memref<1x128x128xf32, #tpu.memory_space<vmem>>
    %dma_start3A_83 = tpu.memref_squeeze %dma_start3A_82 : memref<1x128x128xf32, #tpu.memory_space<vmem>> -> memref<128x128xf32, #tpu.memory_space<vmem>>
    tpu.enqueue_dma source(%dma_start3A_83 : memref<128x128xf32, #tpu.memory_space<vmem>>) target(%dma_start3A_79 : memref<128x128xf32, #tpu.memory_space<hbm>>) target_semaphore(%arg10 : memref<!tpu.dma_semaphore, #tpu.memory_space<semaphore_mem>>)
    %dma_wait3A_84 = arith.constant 1 : i32
    %dma_wait3A_85 = arith.constant 0 : i32
    %dma_wait3A_86 = arith.constant 1 : i32
    %dma_wait3A_87 = arith.constant 0 : i32
    %dma_wait3A_88 = arith.constant 0 : i32
    %dma_wait3A_89 = tpu.memref_slice %arg6[%dma_wait3A_86, %dma_wait3A_87, %dma_wait3A_88] : memref<3x128x128xf32, #tpu.memory_space<vmem>> -> memref<1x128x128xf32, #tpu.memory_space<vmem>>
    %dma_wait3A_90 = tpu.memref_squeeze %dma_wait3A_89 : memref<1x128x128xf32, #tpu.memory_space<vmem>> -> memref<128x128xf32, #tpu.memory_space<vmem>>
    %dma_wait3A_91 = arith.constant 0 : i32
    %dma_wait3A_92 = tpu.memref_slice %arg5[%dma_wait3A_84, %dma_wait3A_85, %dma_wait3A_91] : memref<3x1x128xi32, #tpu.memory_space<vmem>> -> memref<1x1x128xi32, #tpu.memory_space<vmem>>
    %dma_wait3A_93 = tpu.memref_squeeze %dma_wait3A_92 : memref<1x1x128xi32, #tpu.memory_space<vmem>> -> memref<128xi32, #tpu.memory_space<vmem>>
    %dma_wait3A_94 = arith.constant 0 : i32
    %dma_wait3A_95 = arith.constant 0 : i32
    %dma_wait3A_96 = tpu.memref_slice %arg7[%dma_wait3A_94, %dma_wait3A_95] : memref<8192x128xf32, #tpu.memory_space<vmem_shared>> -> memref<8192x128xf32, #tpu.memory_space<vmem_shared>>
    tpu.wait_indirect_dma semaphore(%arg9 : memref<!tpu.dma_semaphore, #tpu.memory_space<semaphore_mem>>) src(%dma_wait3A_96 : memref<8192x128xf32, #tpu.memory_space<vmem_shared>>) dst(%dma_wait3A_90 : memref<128x128xf32, #tpu.memory_space<vmem>>)
    %add3A_97 = arith.constant 199 : i32
    %add3A_98 = arith.addi %mul3A_2, %add3A_97 : i32
    %mul3A_99 = arith.constant 128 : i32
    %mul3A_100 = arith.muli %add3A_98, %mul3A_99 : i32
    %dma_start3A_101 = arith.constant 1 : i32
    %dma_start3A_102 = arith.constant 0 : i32
    %dma_start3A_103 = arith.constant 0 : i32
    %dma_start3A_104 = tpu.memref_slice %arg6[%dma_start3A_101, %dma_start3A_102, %dma_start3A_103] : memref<3x128x128xf32, #tpu.memory_space<vmem>> -> memref<1x128x128xf32, #tpu.memory_space<vmem>>
    %dma_start3A_105 = tpu.memref_squeeze %dma_start3A_104 : memref<1x128x128xf32, #tpu.memory_space<vmem>> -> memref<128x128xf32, #tpu.memory_space<vmem>>
    %dma_start3A_106 = arith.constant 0 : i32
    %dma_start3A_107 = tpu.memref_slice %arg4[%mul3A_100, %dma_start3A_106] : memref<819200x128xf32, #tpu.memory_space<hbm>> -> memref<128x128xf32, #tpu.memory_space<hbm>>
    %dma_start3A_108 = arith.constant 0 : i32
    %dma_start3A_109 = tpu.memref_slice %arg4[%mul3A_100, %dma_start3A_108] : memref<819200x128xf32, #tpu.memory_space<hbm>> -> memref<128x128xf32, #tpu.memory_space<hbm>>
    %dma_start3A_110 = arith.constant 0 : i32
    %dma_start3A_111 = arith.constant 0 : i32
    %dma_start3A_112 = tpu.memref_slice %arg6[%dma_start3A_101, %dma_start3A_110, %dma_start3A_111] : memref<3x128x128xf32, #tpu.memory_space<vmem>> -> memref<1x128x128xf32, #tpu.memory_space<vmem>>
    %dma_start3A_113 = tpu.memref_squeeze %dma_start3A_112 : memref<1x128x128xf32, #tpu.memory_space<vmem>> -> memref<128x128xf32, #tpu.memory_space<vmem>>
    tpu.enqueue_dma source(%dma_start3A_113 : memref<128x128xf32, #tpu.memory_space<vmem>>) target(%dma_start3A_109 : memref<128x128xf32, #tpu.memory_space<hbm>>) target_semaphore(%arg11 : memref<!tpu.dma_semaphore, #tpu.memory_space<semaphore_mem>>)
    %add3A_114 = arith.constant 197 : i32
    %add3A_115 = arith.addi %mul3A_2, %add3A_114 : i32
    %mul3A_116 = arith.constant 128 : i32
    %mul3A_117 = arith.muli %add3A_115, %mul3A_116 : i32
    %dma_wait3A_118 = arith.constant 2 : i32
    %dma_wait3A_119 = arith.constant 0 : i32
    %dma_wait3A_120 = arith.constant 0 : i32
    %dma_wait3A_121 = tpu.memref_slice %arg6[%dma_wait3A_118, %dma_wait3A_119, %dma_wait3A_120] : memref<3x128x128xf32, #tpu.memory_space<vmem>> -> memref<1x128x128xf32, #tpu.memory_space<vmem>>
    %dma_wait3A_122 = tpu.memref_squeeze %dma_wait3A_121 : memref<1x128x128xf32, #tpu.memory_space<vmem>> -> memref<128x128xf32, #tpu.memory_space<vmem>>
    %dma_wait3A_123 = arith.constant 0 : i32
    %dma_wait3A_124 = tpu.memref_slice %arg4[%mul3A_117, %dma_wait3A_123] : memref<819200x128xf32, #tpu.memory_space<hbm>> -> memref<128x128xf32, #tpu.memory_space<hbm>>
    %dma_wait3A_125 = arith.constant 0 : i32
    %dma_wait3A_126 = tpu.memref_slice %arg4[%mul3A_117, %dma_wait3A_125] : memref<819200x128xf32, #tpu.memory_space<hbm>> -> memref<128x128xf32, #tpu.memory_space<hbm>>
    %dma_wait3A_127 = arith.constant 0 : i32
    %dma_wait3A_128 = arith.constant 0 : i32
    %dma_wait3A_129 = tpu.memref_slice %arg6[%dma_wait3A_118, %dma_wait3A_127, %dma_wait3A_128] : memref<3x128x128xf32, #tpu.memory_space<vmem>> -> memref<1x128x128xf32, #tpu.memory_space<vmem>>
    %dma_wait3A_130 = tpu.memref_squeeze %dma_wait3A_129 : memref<1x128x128xf32, #tpu.memory_space<vmem>> -> memref<128x128xf32, #tpu.memory_space<vmem>>
    tpu.wait_dma2 semaphore(%arg12 : memref<!tpu.dma_semaphore, #tpu.memory_space<semaphore_mem>>) src(%dma_wait3A_130 : memref<128x128xf32, #tpu.memory_space<vmem>>) dst(%dma_wait3A_126 : memref<128x128xf32, #tpu.memory_space<hbm>>)
    %add3A_131 = arith.constant 198 : i32
    %add3A_132 = arith.addi %mul3A_2, %add3A_131 : i32
    %mul3A_133 = arith.constant 128 : i32
    %mul3A_134 = arith.muli %add3A_132, %mul3A_133 : i32
    %dma_wait3A_135 = arith.constant 0 : i32
    %dma_wait3A_136 = arith.constant 0 : i32
    %dma_wait3A_137 = arith.constant 0 : i32
    %dma_wait3A_138 = tpu.memref_slice %arg6[%dma_wait3A_135, %dma_wait3A_136, %dma_wait3A_137] : memref<3x128x128xf32, #tpu.memory_space<vmem>> -> memref<1x128x128xf32, #tpu.memory_space<vmem>>
    %dma_wait3A_139 = tpu.memref_squeeze %dma_wait3A_138 : memref<1x128x128xf32, #tpu.memory_space<vmem>> -> memref<128x128xf32, #tpu.memory_space<vmem>>
    %dma_wait3A_140 = arith.constant 0 : i32
    %dma_wait3A_141 = tpu.memref_slice %arg4[%mul3A_134, %dma_wait3A_140] : memref<819200x128xf32, #tpu.memory_space<hbm>> -> memref<128x128xf32, #tpu.memory_space<hbm>>
    %dma_wait3A_142 = arith.constant 0 : i32
    %dma_wait3A_143 = tpu.memref_slice %arg4[%mul3A_134, %dma_wait3A_142] : memref<819200x128xf32, #tpu.memory_space<hbm>> -> memref<128x128xf32, #tpu.memory_space<hbm>>
    %dma_wait3A_144 = arith.constant 0 : i32
    %dma_wait3A_145 = arith.constant 0 : i32
    %dma_wait3A_146 = tpu.memref_slice %arg6[%dma_wait3A_135, %dma_wait3A_144, %dma_wait3A_145] : memref<3x128x128xf32, #tpu.memory_space<vmem>> -> memref<1x128x128xf32, #tpu.memory_space<vmem>>
    %dma_wait3A_147 = tpu.memref_squeeze %dma_wait3A_146 : memref<1x128x128xf32, #tpu.memory_space<vmem>> -> memref<128x128xf32, #tpu.memory_space<vmem>>
    tpu.wait_dma2 semaphore(%arg10 : memref<!tpu.dma_semaphore, #tpu.memory_space<semaphore_mem>>) src(%dma_wait3A_147 : memref<128x128xf32, #tpu.memory_space<vmem>>) dst(%dma_wait3A_143 : memref<128x128xf32, #tpu.memory_space<hbm>>)
    %add3A_148 = arith.constant 199 : i32
    %add3A_149 = arith.addi %mul3A_2, %add3A_148 : i32
    %mul3A_150 = arith.constant 128 : i32
    %mul3A_151 = arith.muli %add3A_149, %mul3A_150 : i32
    %dma_wait3A_152 = arith.constant 1 : i32
    %dma_wait3A_153 = arith.constant 0 : i32
    %dma_wait3A_154 = arith.constant 0 : i32
    %dma_wait3A_155 = tpu.memref_slice %arg6[%dma_wait3A_152, %dma_wait3A_153, %dma_wait3A_154] : memref<3x128x128xf32, #tpu.memory_space<vmem>> -> memref<1x128x128xf32, #tpu.memory_space<vmem>>
    %dma_wait3A_156 = tpu.memref_squeeze %dma_wait3A_155 : memref<1x128x128xf32, #tpu.memory_space<vmem>> -> memref<128x128xf32, #tpu.memory_space<vmem>>
    %dma_wait3A_157 = arith.constant 0 : i32
    %dma_wait3A_158 = tpu.memref_slice %arg4[%mul3A_151, %dma_wait3A_157] : memref<819200x128xf32, #tpu.memory_space<hbm>> -> memref<128x128xf32, #tpu.memory_space<hbm>>
    %dma_wait3A_159 = arith.constant 0 : i32
    %dma_wait3A_160 = tpu.memref_slice %arg4[%mul3A_151, %dma_wait3A_159] : memref<819200x128xf32, #tpu.memory_space<hbm>> -> memref<128x128xf32, #tpu.memory_space<hbm>>
    %dma_wait3A_161 = arith.constant 0 : i32
    %dma_wait3A_162 = arith.constant 0 : i32
    %dma_wait3A_163 = tpu.memref_slice %arg6[%dma_wait3A_152, %dma_wait3A_161, %dma_wait3A_162] : memref<3x128x128xf32, #tpu.memory_space<vmem>> -> memref<1x128x128xf32, #tpu.memory_space<vmem>>
    %dma_wait3A_164 = tpu.memref_squeeze %dma_wait3A_163 : memref<1x128x128xf32, #tpu.memory_space<vmem>> -> memref<128x128xf32, #tpu.memory_space<vmem>>
    tpu.wait_dma2 semaphore(%arg11 : memref<!tpu.dma_semaphore, #tpu.memory_space<semaphore_mem>>) src(%dma_wait3A_164 : memref<128x128xf32, #tpu.memory_space<vmem>>) dst(%dma_wait3A_160 : memref<128x128xf32, #tpu.memory_space<hbm>>)
    return
  }
}

</mosaic_0001>

<sc_bundles>
// kernel: kernel.3.cloned.1.call-start
scs
__scs_entry_jumppad:
0x0: {  	(pc) =	sbr.rel $0x88, $3  }
0x1: {  	(tag) =	ssettag $0x0;
	lr =	simm.s32 $0x1  }
0x2: {  	[smem:$0x3F9F] =	sst lr;
	_ =	strace $0xD0000000  }
0x3: {  	_ = 	snop  }
0x4: {  	_ = 	snop  }
0x5: {  	_ = 	snop  }
0x6: {  	_ = 	snop  }
0x7: {  	_ = 	snop  }
__scs_overlays_trampoline_lowered:
0x8: {  	[smem:$0x3FAE] =	sst s0  }
0x9: {  	[smem:$0x3FAF] =	sst s1  }
0xa: {  	[smem:$0x3FB0] =	sst s2  }
0xb: {  	[smem:$0x3FB1] =	sst s3  }
0xc: {  	[smem:$0x3FB2] =	sst s4  }
0xd: {  	[smem:$0x3FB3] =	sst s5  }
0xe: {  	[smem:$0x3FB4] =	sst s6  }
0xf: {  	[smem:$0x3FB5] =	sst s7  }
0x10: {  	[smem:$0x3FB6] =	sst s8  }
0x11: {  	[smem:$0x3FB7] =	sst s9;
	s0 =	simm.s32 @!p0 $0x0  }
0x12: {  	s1 =	sld [smem:$0x3F9D];
	s0 =	simm.s32 @p0 $0x1  }
0x13: {  	[smem:$0x3FB8] =	sst s0;
	s0 =	simm.s32 @!p1 $0x0  }
0x14: {  	s2 =	sld [smem:$0x3F9C];
	s0 =	simm.s32 @p1 $0x1  }
0x15: {  	[smem:$0x3FB9] =	sst s0;
	s0 =	simm.s32 @!p2 $0x0  }
0x16: {  	s3 =	sld [smem:$0x3FDB];
	s0 =	simm.s32 @p2 $0x1  }
0x17: {  	s4 =	simm.s32 $0x1BF5;
	[smem:$0x3FBB] =	sst s0  }
0x18: {  	s0 =	sld [smem:$0x3F9E];
	_ =	swait.ge [sflag:s4], $0x0  }
0x19: {  	s7 =	sld [smem:$0x3F9F]  }
0x1a: {  	s8 =	sadd.s32 $0xFFFFE003, lr  }
0x1b: {  	s9 =	sadd.s32 $0xFFFFFEF7, lr;
	s5 =	simm.s32 $0xFFFFFFFF;
	p2 =	slt.u32 s8, $0xFFFFF086  }
0x1c: {  	p1 =	slt.u32 s9, $0xF7A;
	s5 =	simm.s32 @!p2 $0x0  }
0x1d: {  	s5 =	simm.s32 @p1 $0x1;
	p0 =	seq.s32 s7, s2  }
0x1e: {  	s7 =	smul.u32 @!p0 $0xF7A, s2;
	p2 =	seq.s32 @!p0 s5, $0x0  }
0x1f: {  	s9 =	smul.u32 $0xF7A, s1;
	s8 =	simm.s32 @!p0 $0x1BF5;
	p2 =	por !p2, p0  }
0x20: {  	[sflag:s8] =	ssyncset.s32 @!p0 $0xFFFFF086;
	s6 =	sadd.s32 @!p0 s3, s7;
	s7 =	simm.s32 @!p0 $0x108  }
0x21: {  	s3 =	sadd.s32 s3, s9;
	s6 =	sadd.s32 @!p0 $0x88, s6;
	s7 =	simm.s32 @p2 $0x1082  }
0x22: {  	[simem:s7], [sflag:s8] =	dma.local @!p0 [hbm:s6], $0xF7A  }
0x23: {  	s9 =	sor.u32 $0xD0000000, s2;
	s6 =	simm.s32 $0x108;
	_ =	swait.ge @!p0 [sflag:s8], $0x0  }
0x24: {  	s3 =	sadd.s32 $0x88, s3;
	s6 =	simm.s32 @!p1 $0x1082;
	[sflag:s4] =	ssyncset.s32 $0xFFFFF086  }
0x25: {  	[simem:s6], [sflag:s4] =	dma.local [hbm:s3], $0xF7A  }
0x26: {  	[smem:$0x3F9F] =	sst s1;
	(tag) =	ssettag s2;
	_ =	strace s9  }
0x27: {  	s1 =	sld [smem:$0x3FAF]  }
0x28: {  	s2 =	sld [smem:$0x3FB0]  }
0x29: {  	s4 =	sld [smem:$0x3FB2]  }
0x2a: {  	p0 =	seq.s32 s5, $0x0;
	s5 =	sld [smem:$0x3FB3]  }
0x2b: {  	s6 =	sld [smem:$0x3FB4]  }
0x2c: {  	s7 =	sld [smem:$0x3FB5]  }
0x2d: {  	s3 =	simm.s32 $0x108;
	s8 =	sld [smem:$0x3FB6]  }
0x2e: {  	s3 =	simm.s32 @!p0 $0x1082;
	s9 =	sld [smem:$0x3FB7]  }
0x2f: {  	lr =	sadd.s32 s0, s3;
	s0 =	sld [smem:$0x3FAE]  }
0x30: {  	s3 =	sld [smem:$0x3FB1]  }
0x31: {  	[smem:$0x3FBA] =	sst s10  }
0x32: {  	s10 =	sld [smem:$0x3FB8];
	_ =	sdelay $0x3  }
0x33: {  	p0 =	seq.s32 s10, $0x1;
	s10 =	sld [smem:$0x3FBA];
	_ =	sdelay $0x3  }
0x34: {  	[smem:$0x3FBA] =	sst s10  }
0x35: {  	s10 =	sld [smem:$0x3FB9];
	_ =	sdelay $0x3  }
0x36: {  	p1 =	seq.s32 s10, $0x1;
	s10 =	sld [smem:$0x3FBA];
	_ =	sdelay $0x3  }
0x37: {  	[smem:$0x3FBA] =	sst s10  }
0x38: {  	s10 =	sld [smem:$0x3FBB]  }
0x39: {  	_ = 	snop;
	(pc) =	sbr.ind lr, $3  }
0x3a: {  	_ = 	snop  }
0x3b: {  	_ = 	snop  }
0x3c: {  	p2 =	seq.s32 s10, $0x1;
	s10 =	sld [smem:$0x3FBA]  }
0x3d: {  	_ =	shalt  }
0x3e: {  	_ =	shalt  }
0x3f: {  	_ =	shalt  }
0x40: {  	_ =	shalt  }
0x41: {  	_ =	shalt  }
0x42: {  	_ =	shalt  }
0x43: {  	_ =	shalt  }
0x44: {  	_ =	shalt  }
0x45: {  	_ =	shalt  }
0x46: {  	_ =	shalt  }
0x47: {  	_ =	shalt  }
0x48: {  	_ =	shalt  }
0x49: {  	_ =	shalt  }
0x4a: {  	_ =	shalt  }
0x4b: {  	_ =	shalt  }
0x4c: {  	_ =	shalt  }
0x4d: {  	_ =	shalt  }
0x4e: {  	_ =	shalt  }
0x4f: {  	_ =	shalt  }
0x50: {  	_ =	shalt  }
0x51: {  	_ =	shalt  }
0x52: {  	_ =	shalt  }
0x53: {  	_ =	shalt  }
0x54: {  	_ =	shalt  }
0x55: {  	_ =	shalt  }
0x56: {  	_ =	shalt  }
0x57: {  	_ =	shalt  }
0x58: {  	_ =	shalt  }
0x59: {  	_ =	shalt  }
0x5a: {  	_ =	shalt  }
0x5b: {  	_ =	shalt  }
0x5c: {  	_ =	shalt  }
0x5d: {  	_ =	shalt  }
0x5e: {  	_ =	shalt  }
0x5f: {  	_ =	shalt  }
0x60: {  	_ =	shalt  }
0x61: {  	_ =	shalt  }
0x62: {  	_ =	shalt  }
0x63: {  	_ =	shalt  }
0x64: {  	_ =	shalt  }
0x65: {  	_ =	shalt  }
0x66: {  	_ =	shalt  }
0x67: {  	_ =	shalt  }
0x68: {  	_ =	shalt  }
0x69: {  	_ =	shalt  }
0x6a: {  	_ =	shalt  }
0x6b: {  	_ =	shalt  }
0x6c: {  	_ =	shalt  }
0x6d: {  	_ =	shalt  }
0x6e: {  	_ =	shalt  }
0x6f: {  	_ =	shalt  }
0x70: {  	_ =	shalt  }
0x71: {  	_ =	shalt  }
0x72: {  	_ =	shalt  }
0x73: {  	_ =	shalt  }
0x74: {  	_ =	shalt  }
0x75: {  	_ =	shalt  }
0x76: {  	_ =	shalt  }
0x77: {  	_ =	shalt  }
0x78: {  	_ =	shalt  }
0x79: {  	_ =	shalt  }
0x7a: {  	_ =	shalt  }
0x7b: {  	_ =	shalt  }
0x7c: {  	_ =	shalt  }
0x7d: {  	_ =	shalt  }
0x7e: {  	_ =	shalt  }
0x7f: {  	_ =	shalt  }
0x80: {  	_ =	shalt  }
0x81: {  	_ =	shalt  }
0x82: {  	_ =	shalt  }
0x83: {  	_ =	shalt  }
0x84: {  	_ =	shalt  }
0x85: {  	_ =	shalt  }
0x86: {  	_ =	shalt  }
0x87: {  	_ =	shalt  }
.Lfunc_end0:
.L_simem_size_0:
called_computation_lowered:
.L_overlay_start_0:
0x88: {  	s2 =	sld [smem:$0x3FD9]  }
0x89: {  	s3 =	sld [smem:$0x3FFE];
	_ =	sdelay $0x1  }
0x8a: {  	s1 =	srdreg.scid  }
0x8b: {  	s0 =	sand.u32 $0x1, s1  }
0x8c: {  	s17 =	sshll.u32 s0, $0xA;
	s2 =	sadd.s32 s3, s2  }
0x8d: {  	s2 =	sadd.s32 s2, s17  }
0x8e: {  	[smem:$0x3FC6] =	sst s2  }
0x8f: {  	_ = 	snop  }
0x90: {  	s2 =	sld [smem:$0x3FC8]  }
0x91: {  	s18 =	sld [smem:$0x3FD0];
	(tm) =	ssettm $0x1  }
0x92: {  	s4 =	sld [smem:$0x3FFB];
	_ =	sdelay $0x3  }
0x93: {  	_ =	strace s4  }
0x94: {  	s4 =	sld [smem:$0x3FFC];
	_ =	sdelay $0x3  }
0x95: {  	_ =	strace s4  }
0x96: {  	s4 =	sld [smem:$0x3FFD];
	_ =	sdelay $0x3  }
0x97: {  	_ =	strace s4  }
0x98: {  	_ =	strace $0x8FFFFFFF  }
0x99: {  	s19 =	sld [smem:$0x3FDB];
	_ =	sdelay $0x1  }
0x9a: {  	s5 =	simm.s32 $_scs_section_size  }
0x9b: {  	s6 =	simm.s32 $_size__tile_overlayer_lowered;
	s7 =	simm.s32 $_tile_overlayer_lowered  }
0x9c: {  	s22 =	simm.s32 $0x1BFF;
	s21 =	sshll.u32 s7, $0x1;
	s4 =	sadd.s32 s5, s19  }
0x9d: {  	s8 =	simm.s32 $0x0;
	s20 =	sshll.u32 s6, $0x1;
	s6 =	sadd.s32 s21, s4  }
0x9e: {  	[timem:s8], [sflag:s22] =	dma.local [hbm:s6], s20  }
0x9f: {  	_ =	swait.ge [sflag:s22], s20  }
0xa0: {  	s5 =	ssub.s32 $0x0, s20;
	[sflag:s22] =	ssyncset.done $0x0  }
0xa1: {  	[sflag:s22] =	ssyncadd.s32 s5;
	_ =	sdelay $0x1  }
0xa2: {  	s23 =	simm.s32 $0x1B8B  }
0xa3: {  	_ =	swait.ge [sflag:s23], $0x1  }
0xa4: {  	[sflag:s23] =	ssyncset.done $0x0  }
0xa5: {  	s25 =	simm.s32 $0x1B8E;
	s24 =	sld [smem:$0x3FFE];
	[sflag:s23] =	ssyncadd.s32 $0xFFFFFFFF  }
0xa6: {  	s26 =	simm.s32 $execute0_lowered;
	[smem:$0x3FD2] =	sst s25  }
0xa7: {  	s6 =	sshll.u32 s26, $0x1;
	_ =	strace $0x80000046;
	[dreg:$0x1] =	wrdreg $0xFFFFFFFF  }
0xa8: {  	s28 =	simm.s32 $_size_execute0_lowered;
	s4 =	sadd.s32 s4, s6;
	[dreg:$0x0] =	wrdreg $0x0  }
0xa9: {  	s6 =	sshll.u32 s28, $0x1;
	[dreg:$0x2] =	wrdreg s4  }
0xaa: {  	[dreg:$0x3] =	wrdreg s6  }
0xab: {  	[dreg:$0x4] =	wrdreg $0xC0  }
0xac: {  	_ =	task [dreg:s8], $0x5FFFF  }
0xad: {  	[dreg:$0x1] =	wrdreg $0xFFFFFFFF  }
0xae: {  	[dreg:$0x0] =	wrdreg $0x60  }
0xaf: {  	[dreg:$0x2] =	wrdreg s2  }
0xb0: {  	[dreg:$0x3] =	wrdreg s24  }
0xb1: {  	[dreg:$0x4] =	wrdreg s18  }
0xb2: {  	[dreg:$0x5] =	wrdreg $0xC1800  }
0xb3: {  	[dreg:$0x6] =	wrdreg $0x9  }
0xb4: {  	_ =	task.clear_ibuf [dreg:s8], $0x7FFFF;
	_ =	strace $0x90000046  }
0xb5: {  	s29 =	simm.s32 $0x9;
	_ =	strace $0x80000048  }
0xb6: {  	_ =	swait.ge [sflag:s29], $0x1  }
0xb7: {  	[sflag:s29] =	ssyncadd.s32 $0xFFFFFFFF  }
0xb8: {  	_ =	strace $0x90000048  }
0xb9: {  	_ =	sfence  }
0xba: {  	s30 =	sld [smem:$0x0];
	_ =	sdelay $0x2  }
0xbb: {  	s31 =	sshll.u32 s1, $0xD;
	s1 =	sshrl.u32 s1, $0x2  }
0xbc: {  	s3 =	sand.u32 $0x4000, s31;
	s1 =	sadd.s32 s1, s30  }
0xbd: {  	s0 =	sor.u32 s3, s0;
	s1 =	sshll.u32 s1, $0x11  }
0xbe: {  	s0 =	sor.u32 s1, s0  }
0xbf: {  	s0 =	sadd.s32 $0x8F2B, s0  }
0xc0: {  	[sflag:s0] =	ssyncadd.remote.s32 $0x1  }
0xc1: {  	_ =	sfence.sel $0xFFFF  }
0xc2: {  	[dreg:$0x0] =	wrdreg $0xFFFFFFFF;
	(pc) =	sbr.abs _section_cstart, $3  }
0xc3: {  	[dreg:$0x1] =	wrdreg $0xFFFFFFFF  }
0xc4: {  	_ =	task.clear_ibuf [dreg:s8], $0x2FFFF;
	_ =	strace $0x9FFFFFFF  }
0xc5: {  	(tm) =	ssettm $0x7FFFFFFF  }
tec
execute0_lowered:
.L_overlay_start_1:
0x0: {  	(tag) =	ssettag $0x1  }
0x1: {  	s4 =	rddreg [dreg:$0x1]  }
0x2: {  	s12 =	rddreg [dreg:$0x2]  }
0x3: {  	s2 =	rddreg [dreg:$0x3]  }
0x4: {  	s5 =	srdreg.scid;
	s13 =	stileid.u32  }
0x5: {  	s3 =	simm.s32 $0x0;
	s19 =	simm.s32 $0x100;
	s20 =	simm.s32 $0x2  }
0x6: {  	s21 =	simm.s32 $0x1;
	s22 =	simm.s32 $0x8180;
	s14 =	smul.u32 $0x190, s13  }
0x7: {  	s23 =	simm.s32 $0x3;
	s24 =	simm.s32 $0x4;
	s16 =	smul.u32 $0x1900, s13  }
0x8: {  	s25 =	simm.s32 $0x5;
	s11 =	sand.u32 $0x1, s5;
	s30 =	smul.u32 $0xC8000, s13  }
0x9: {  	s26 =	sshll.u32 s13, $0x1;
	[smem:$0x7FF] =	sst s3;
	s29 =	smul.u32 $0xC8, s11  }
0xa: {  	s4 =	sadd.s32 $0x400, s4;
	p0 =	sne.s32 s13, $0x0;
	s17 =	smul.u32 $0xC80, s11  }
0xb: {  	s5 =	sor.u32 s11, s26;
	_ =	strace $0x80000047;
	s18 =	smul.u32 $0x64000, s11  }
0xc: {  	s6 =	ssub.s32 $0x2, s11;
	s26 =	simm.s32 $0x0;
	s7 =	smul.u32 $0xC80, s5  }
0xd: {  	s8 =	sshrl.u32 s6, $0x1;
	s9 =	smul.u32 $0x320000, s5;
	s31 =	sadd.s32 s30, s12  }
0xe: {  	s10 =	ssub.s32 s6, s8;
	s14 =	sadd.s32 s29, s14;
	s13 =	sadd.s32 s18, s31  }
0xf: {  	s18 =	simm.s32 $0x4180;
	s5 =	sadd.s32 s4, s7;
	s28 =	sshrl.u32 s9, $0x3  }
.Ltmp0:
0x10: {  	s14 =	sshll.u32 s14, $0xB;
	s10 =	smax.u32 s10, $0x1;
	(pc) =	sbr.rel .LBB2_1-.Ltmp0, $4  }
0x11: {  	s6 =	sadd.s32 $0x10, s5;
	s7 =	sadd.s32 $0x20, s5;
	s15 =	sadd.s32 s12, s28  }
0x12: {  	s14 =	sadd.s32 s14, s12;
	s12 =	sadd.s32 s17, s16;
	s16 =	simm.s32 $0x80  }
0x13: {  	s17 =	simm.s32 $0x180;
	s8 =	sadd.s32 $0x63000, s15;
	s9 =	sadd.s32 $0x63800, s15  }
0x14: {  	s11 =	sadd.s32 $0x1000, s14;
	s14 =	sshrl.u32 @!p0 s2, $0x3;
	s15 =	simm.s32 $0x6  }
.LBB2_4:
0x15: {  	_ =	swait.ge [sflag:s20], $0x4000  }
0x16: {  	[sflag:s20] =	ssyncset.done $0x0  }
0x17: {  	[sflag:s20] =	ssyncadd.s32 $0xFFFFC000  }
0x18: {  	[hbm4b:s8+s3] =	stream.linear.scatter [tilespmem:s17], [sflag:$0x3], $0x4000, $0x38;
	[tilespmem:$0x1C180] =	vst v63  }
0x19: {  	_ =	swait.ge [sflag:s20], $0x4000  }
0x1a: {  	[sflag:s20] =	ssyncset.done $0x0  }
0x1b: {  	[sflag:s20] =	ssyncadd.s32 $0xFFFFC000  }
0x1c: {  	[hbm4b:s9+s3] =	stream.linear.scatter [tilespmem:s18], [sflag:$0x4], $0x4000, $0x38;
	[tilespmem:$0x1C180] =	vst v63  }
0x1d: {  	_ =	swait.ge [sflag:s25], $0x4000  }
0x1e: {  	[sflag:s25] =	ssyncset.done $0x0  }
0x1f: {  	s26 =	sadd.s32 $0x1, s26;
	[sflag:s25] =	ssyncadd.s32 $0xFFFFC000  }
0x20: {  	p1 =	sne.s32 s26, s10;
	_ =	swait.ge [sflag:s23], $0x4000  }
.Ltmp1:
0x21: {  	[sflag:s23] =	ssyncset.done $0x0;
	(pc) =	sbr.rel @!p1 .LBB2_5-.Ltmp1, $4  }
0x22: {  	[sflag:s23] =	ssyncadd.s32 $0xFFFFC000  }
0x23: {  	_ =	swait.ge [sflag:s24], $0x4000  }
0x24: {  	[sflag:s24] =	ssyncset.done $0x0  }
0x25: {  	[sflag:s24] =	ssyncadd.s32 $0xFFFFC000  }
.LBB2_1:
0x26: {  	s28 =	simm.s32 @!p0 $0x1C06;
	s0 =	rddreg [dreg:$0x0]  }
0x27: {  	[spmem:s14], [sflag:s28] =	dma.local @!p0 [hbm:s0], $0x20000  }
0x28: {  	s28 =	simm.s32 @!p0 $0x6  }
0x29: {  	_ =	swait.ge @!p0 [sflag:s28], $0x20000  }
0x2a: {  	[sflag:s28] =	ssyncset.done @!p0 $0x0  }
0x2b: {  	[sflag:s28] =	ssyncadd.s32 @!p0 $0xFFFE0000  }
0x2c: {  	[bflag:$0x0] =	sbarrier.arrive $0xFFFF  }
0x2d: {  	[tilespmem:s3], [sflag:$0x6] =	stream.linear.gather [hbm4b:s5+s3], $0x80, $0x38;
	[tilespmem:$0x1C180] =	vst v63  }
0x2e: {  	_ =	swait.ge [sflag:s15], $0x80  }
0x2f: {  	[sflag:s15] =	ssyncset.done $0x0  }
0x30: {  	[sflag:s15] =	ssyncadd.s32 $0xFFFFFF80  }
0x31: {  	[tilespmem:s17], [sflag:$0x2] =	stream.indirect.gather [spmem:s2], $0x80, s3, s16, $0xb8;
	[tilespmem:$0x1C180] =	vst v63  }
0x32: {  	_ = 	snop  }
0x33: {  	[tilespmem:s16], [sflag:$0x6] =	stream.linear.gather [hbm4b:s6+s3], $0x80, $0x38;
	[tilespmem:$0x1C180] =	vst v63  }
0x34: {  	_ =	swait.ge [sflag:s15], $0x80  }
0x35: {  	[sflag:s15] =	ssyncset.done $0x0  }
0x36: {  	[sflag:s15] =	ssyncadd.s32 $0xFFFFFF80  }
0x37: {  	[tilespmem:s18], [sflag:$0x2] =	stream.indirect.gather [spmem:s2], $0x80, s16, s16, $0xb8;
	[tilespmem:$0x1C180] =	vst v63  }
0x38: {  	s29 =	smov.u32 s13;
	s30 =	smov.u32 s11;
	s28 =	simm.s32 $0x50  }
0x39: {  	[tilespmem:s19], [sflag:$0x1] =	stream.linear.gather [hbm4b:s7+s3], $0x80, $0x38;
	[tilespmem:$0x1C180] =	vst v63  }
.LBB2_2:
0x3a: {  	_ =	swait.ge [sflag:s20], $0x4000  }
0x3b: {  	[sflag:s20] =	ssyncset.done $0x0  }
0x3c: {  	[sflag:s20] =	ssyncadd.s32 $0xFFFFC000  }
0x3d: {  	[hbm4b:s29+s3] =	stream.linear.scatter [tilespmem:s17], [sflag:$0x3], $0x4000, $0x38;
	[tilespmem:$0x1C180] =	vst v63  }
0x3e: {  	_ =	swait.ge [sflag:s21], $0x80  }
0x3f: {  	p1 =	seq.s32 s28, $0x50;
	[sflag:s21] =	ssyncset.done $0x0  }
0x40: {  	s31 =	simm.s32 @!p1 $0x5;
	[sflag:s21] =	ssyncadd.s32 $0xFFFFFF80  }
0x41: {  	_ =	swait.ge @!p1 [sflag:s31], $0x4000  }
0x42: {  	[sflag:s31] =	ssyncset.done @!p1 $0x0  }
0x43: {  	s0 =	sadd.s32 $0xFFFFFFE0, s28;
	[sflag:s31] =	ssyncadd.s32 @!p1 $0xFFFFC000;
	s31 =	sadd.s32 s28, s12  }
0x44: {  	[tilespmem:s22], [sflag:$0x2] =	stream.indirect.gather [spmem:s2], $0x80, s19, s16, $0xb8;
	[tilespmem:$0x1C180] =	vst v63  }
0x45: {  	s0 =	sand.u32 $0x70, s0;
	s1 =	sadd.s32 $0xFFFFFFE0, s31  }
0x46: {  	s0 =	sadd.s32 s4, s0;
	s1 =	sand.u32 $0xFFFFF80, s1  }
0x47: {  	s0 =	sadd.s32 s1, s0  }
0x48: {  	[tilespmem:s3], [sflag:$0x1] =	stream.linear.gather [hbm4b:s0+s3], $0x80, $0x38;
	[tilespmem:$0x1C180] =	vst v63  }
0x49: {  	_ =	swait.ge [sflag:s20], $0x4000  }
0x4a: {  	[sflag:s20] =	ssyncset.done $0x0  }
0x4b: {  	s1 =	sadd.s32 $0xFFFFF800, s30;
	[sflag:s20] =	ssyncadd.s32 $0xFFFFC000  }
0x4c: {  	[hbm4b:s1+s3] =	stream.linear.scatter [tilespmem:s18], [sflag:$0x4], $0x4000, $0x38;
	[tilespmem:$0x1C180] =	vst v63  }
0x4d: {  	_ =	swait.ge [sflag:s21], $0x80  }
0x4e: {  	[sflag:s21] =	ssyncset.done $0x0  }
0x4f: {  	[sflag:s21] =	ssyncadd.s32 $0xFFFFFF80  }
0x50: {  	s0 =	sadd.s32 $0xFFFFFFF0, s28;
	_ =	swait.ge [sflag:s23], $0x4000  }
0x51: {  	s0 =	sand.u32 $0x70, s0;
	s1 =	sadd.s32 $0xFFFFFFF0, s31;
	[sflag:s23] =	ssyncset.done $0x0  }
0x52: {  	s0 =	sadd.s32 s4, s0;
	s1 =	sand.u32 $0xFFFFF80, s1;
	[sflag:s23] =	ssyncadd.s32 $0xFFFFC000  }
0x53: {  	[tilespmem:s17], [sflag:$0x2] =	stream.indirect.gather [spmem:s2], $0x80, s3, s16, $0xb8;
	[tilespmem:$0x1C180] =	vst v63  }
0x54: {  	s0 =	sadd.s32 s1, s0  }
0x55: {  	[tilespmem:s16], [sflag:$0x1] =	stream.linear.gather [hbm4b:s0+s3], $0x80, $0x38;
	[tilespmem:$0x1C180] =	vst v63  }
0x56: {  	_ =	swait.ge [sflag:s20], $0x4000  }
0x57: {  	[sflag:s20] =	ssyncset.done $0x0  }
0x58: {  	[sflag:s20] =	ssyncadd.s32 $0xFFFFC000  }
0x59: {  	[hbm4b:s30+s3] =	stream.linear.scatter [tilespmem:s22], [sflag:$0x5], $0x4000, $0x38;
	[tilespmem:$0x1C180] =	vst v63  }
0x5a: {  	_ =	swait.ge [sflag:s21], $0x80  }
0x5b: {  	p1 =	seq.s32 s28, $0xC80;
	[sflag:s21] =	ssyncset.done $0x0  }
.Ltmp2:
0x5c: {  	[sflag:s21] =	ssyncadd.s32 $0xFFFFFF80;
	(pc) =	sbr.rel @p1 .LBB2_4-.Ltmp2, $4  }
0x5d: {  	_ =	swait.ge [sflag:s24], $0x4000  }
0x5e: {  	[sflag:s24] =	ssyncset.done $0x0  }
0x5f: {  	[sflag:s24] =	ssyncadd.s32 $0xFFFFC000  }
0x60: {  	[tilespmem:s18], [sflag:$0x2] =	stream.indirect.gather [spmem:s2], $0x80, s16, s16, $0xb8;
	[tilespmem:$0x1C180] =	vst v63  }
.Ltmp3:
0x61: {  	(pc) =	sbr.rel .LBB2_2-.Ltmp3, $4  }
0x62: {  	s0 =	sand.u32 $0x70, s28  }
0x63: {  	s1 =	sand.u32 $0xFFFFF80, s31;
	s30 =	sadd.s32 $0x1800, s30;
	s0 =	sadd.s32 s4, s0  }
0x64: {  	s28 =	sadd.s32 $0x30, s28;
	s29 =	sadd.s32 $0x1800, s29;
	s0 =	sadd.s32 s1, s0  }
0x65: {  	[tilespmem:s19], [sflag:$0x1] =	stream.linear.gather [hbm4b:s0+s3], $0x80, $0x38;
	[tilespmem:$0x1C180] =	vst v63  }
.LBB2_5:
0x66: {  	_ =	sfence.sel $0x180000  }
0x67: {  	[bflag:$0x0] =	sbarrier.arrive $0xFFFF  }
0x68: {  	_ =	strace $0x90000047  }
0x69: {  	[bflag:$0x2] =	sbarrier.arrive $0xFFFF  }
0x6a: {  	s0 =	rddreg [dreg:$0x4]  }
0x6b: {  	s0 =	sadd.s32 @!p0 $0x100000, s0  }
0x6c: {  	[sflag:s0] =	ssyncadd.tile.s32 @!p0 $0x1;
	_ =	shalt  }
.Lfunc_end2:
_tile_overlayer_lowered:
.L_overlay_start_2:
0x6d: {  	(tag) =	ssettag $0x2  }
0x6e: {  	s0 =	rddreg [dreg:$0x0];
	s2 =	stileid.u32  }
0x6f: {  	s1 =	rddreg [dreg:$0x1];
	p0 =	sne.s32 s2, $0x0  }
0x70: {  	s3 =	rddreg [dreg:$0x2];
	[bflag:$0x3] =	sbarrier.arrive $0xFFFF;
	s2 =	simm.s32 @!p0 $0x1C06  }
0x71: {  	[timem:s3], [sflag:s2] =	dma.local @!p0 [hbm:s0], s1  }
0x72: {  	s0 =	simm.s32 @!p0 $0x6  }
0x73: {  	_ =	swait.ge @!p0 [sflag:s0], s1  }
0x74: {  	s1 =	ssub.s32 @!p0 $0x0, s1;
	[sflag:s0] =	ssyncset.done @!p0 $0x0  }
0x75: {  	[sflag:s0] =	ssyncadd.s32 @!p0 s1  }
0x76: {  	[bflag:$0x3] =	sbarrier.arrive $0xFFFF  }
0x77: {  	_ =	shalt  }

</sc_bundles>
